<compile_context>
chip_gen: v7x
topology: tpu7x:2x2x1
jax: 0.10.2.dev20260603
libtpu: 0.0.44.dev20260713+nightly
codegen_flags: <defaults>
</compile_context>

<pallas_src>
import functools

import jax
import jax.numpy as jnp
from jax import lax
from jax.experimental import pallas as pl
from jax.experimental.pallas import tpu as pltpu
from jax.experimental.pallas import tpu_sc as plsc

NC = 2
NS = 16
NW = NC * NS
BD = 128
BG = 120
D = 128
RB = 1024
NB = 8
NBG = 3


def _sc_mesh():
    return plsc.VectorSubcoreMesh(
        core_axis_name="c", subcore_axis_name="s", num_cores=NC, num_subcores=NS
    )


def _deg_body(T, NP, darr_hbm, out_hbm, acc_sh, ebuf, ones_v, zero_v, *sems):
    ss = list(sems[:NB])
    se = sems[NB]
    c = lax.axis_index("c")
    s = lax.axis_index("s")
    wid = c * NS + s
    rpt = NP // NS
    qbase = wid * T
    P = T // NB

    def _fill(i, _):
        ones_v[pl.ds(i * 16, 16)] = jnp.ones((16,), jnp.float32)
        zero_v[pl.ds(i * 16, 16)] = jnp.zeros((16,), jnp.float32)
        return _

    lax.fori_loop(0, BD // 16, _fill, None)

    def _zero(i, _):
        pltpu.sync_copy(zero_v, acc_sh.at[pl.ds(s * rpt + i * BD, BD)])
        return _

    lax.fori_loop(0, rpt // BD, _zero, None)
    plsc.subcore_barrier()

    pltpu.sync_copy(darr_hbm.at[pl.ds(qbase, NB)], ebuf.at[pl.ds(0, NB)])

    def _blk(p, _):
        gb = (p % 2) * NB
        gbn = ((p + 1) % 2) * NB
        for k in range(NB):
            if k == 0:

                @pl.when(p > 0)
                def _w():
                    pltpu.make_async_copy(
                        darr_hbm.at[pl.ds(qbase, NB)],
                        ebuf.at[pl.ds(gb, NB)], se).wait()

            @pl.when(p > 0)
            def _wprev():
                pltpu.make_async_copy(
                    ones_v, acc_sh.at[ebuf.at[gbn + k]], ss[k]).wait()

            pltpu.async_copy(
                ones_v, acc_sh.at[ebuf.at[gb + k]], ss[k], add=True)
            if k == NB - 1:

                @pl.when(p + 1 < P)
                def _ld():
                    pltpu.async_copy(
                        darr_hbm.at[pl.ds(qbase + NB * (p + 1), NB)],
                        ebuf.at[pl.ds(gbn, NB)], se)

        return _

    lax.fori_loop(0, P, _blk, None)
    gb_last = ((P - 1) % 2) * NB
    for k in range(NB):
        pltpu.make_async_copy(
            ones_v, acc_sh.at[ebuf.at[gb_last + k]], ss[k]).wait()
    plsc.subcore_barrier()
    pltpu.sync_copy(acc_sh.at[pl.ds(s * rpt, rpt)], out_hbm.at[c, pl.ds(s * rpt, rpt)])


def _sc_degree(darr, NP, T):
    kfn = pl.kernel(
        functools.partial(_deg_body, T, NP),
        out_type=jax.ShapeDtypeStruct((NC, NP), jnp.float32),
        mesh=_sc_mesh(),
        scratch_types=[
            pltpu.VMEM_SHARED((NP,), jnp.float32),
            pltpu.VMEM((2 * NB, BD), jnp.int32),
            pltpu.VMEM((BD,), jnp.float32),
            pltpu.VMEM((BD,), jnp.float32),
        ] + [pltpu.SemaphoreType.DMA] * (NB + 1),
    )
    return kfn(darr)


def _gcn_body(T, NP, nb, hp_hbm, earr_hbm, out_hbm, acc_sh, ebuf, *bufs):
    rows = list(bufs[:nb])
    sg = list(bufs[nb:2 * nb])
    ss = list(bufs[2 * nb:3 * nb])
    se = bufs[3 * nb]
    c = lax.axis_index("c")
    s = lax.axis_index("s")
    wid = c * NS + s
    rpt = NP // NS
    qbase = wid * T
    P = T // nb

    pltpu.sync_copy(hp_hbm.at[pl.ds(s * rpt, rpt)], acc_sh.at[pl.ds(s * rpt, rpt)])
    plsc.subcore_barrier()

    EH = 8
    pltpu.sync_copy(earr_hbm.at[pl.ds(EH * wid * P, EH)], ebuf.at[pl.ds(0, EH)])
    for k in range(nb - 1):
        pltpu.async_copy(hp_hbm.at[ebuf.at[2 * k]], rows[k], sg[k])

    def _blk(p, _):
        gb = (p % 2) * EH
        gbn = ((p + 1) % 2) * EH
        for k in range(nb):
            bprev = (k + nb - 1) % nb
            pltpu.make_async_copy(
                hp_hbm.at[ebuf.at[gb + 2 * k]], rows[k], sg[k]).wait()
            pltpu.async_copy(
                rows[k], acc_sh.at[ebuf.at[gb + 2 * k + 1]], ss[k], add=True)
            if k == 0:

                @pl.when(p > 0)
                def _wsc():
                    pltpu.make_async_copy(
                        rows[bprev],
                        acc_sh.at[ebuf.at[gbn + 2 * bprev + 1]], ss[bprev]).wait()

                @pl.when(p + 1 < P)
                def _ld():
                    pltpu.async_copy(
                        earr_hbm.at[pl.ds(EH * (wid * P + p + 1), EH)],
                        ebuf.at[pl.ds(gbn, EH)], se)

            else:
                pltpu.make_async_copy(
                    rows[bprev],
                    acc_sh.at[ebuf.at[gb + 2 * bprev + 1]], ss[bprev]).wait()
            if k == 0:
                pltpu.async_copy(
                    hp_hbm.at[ebuf.at[gb + 2 * (nb - 1)]], rows[nb - 1], sg[nb - 1])
            else:
                if k == 1:

                    @pl.when(p + 1 < P)
                    def _we():
                        pltpu.make_async_copy(
                            earr_hbm.at[pl.ds(EH * wid * P, EH)],
                            ebuf.at[pl.ds(gbn, EH)], se).wait()

                ku = k - 1

                @pl.when(p + 1 < P)
                def _g():
                    pltpu.async_copy(
                        hp_hbm.at[ebuf.at[gbn + 2 * ku]], rows[ku], sg[ku])

        return _

    lax.fori_loop(0, P, _blk, None)
    gb_last = ((P - 1) % 2) * EH
    pltpu.make_async_copy(
        rows[nb - 1],
        acc_sh.at[ebuf.at[gb_last + 2 * (nb - 1) + 1]], ss[nb - 1]).wait()
    plsc.subcore_barrier()
    pltpu.sync_copy(
        acc_sh.at[pl.ds(s * rpt, rpt)], out_hbm.at[c, pl.ds(s * rpt, rpt)]
    )


def _sc_gcn(hp, earr, NP, T):
    nb = NBG
    kfn = pl.kernel(
        functools.partial(_gcn_body, T, NP, nb),
        out_type=jax.ShapeDtypeStruct((NC, NP, D), jnp.float32),
        mesh=_sc_mesh(),
        scratch_types=(
            [pltpu.VMEM_SHARED((NP, D), jnp.float32),
             pltpu.VMEM((16, BG), jnp.int32)]
            + [pltpu.VMEM((BG, D), jnp.float32)] * nb
            + [pltpu.SemaphoreType.DMA] * (2 * nb + 1)
        ),
    )
    return kfn(hp, earr)


def _tc1_body(x_ref, w_ref, degt_ref, hp_ref, dinv_ref):
    d = degt_ref[:, 0:1] + degt_ref[:, 1:2] + 1.0
    dinv = lax.rsqrt(d)
    h = jnp.dot(x_ref[...], w_ref[...], preferred_element_type=jnp.float32)
    hp_ref[...] = h * dinv
    dinv_ref[...] = dinv


def _tc1(x_pad, W3, degT, NP):
    grid = NP // RB
    return pl.pallas_call(
        _tc1_body,
        grid=(grid,),
        in_specs=[
            pl.BlockSpec((RB, D), lambda i: (i, 0)),
            pl.BlockSpec((D, D), lambda i: (0, 0)),
            pl.BlockSpec((RB, NC), lambda i: (i, 0)),
        ],
        out_specs=[
            pl.BlockSpec((RB, D), lambda i: (i, 0)),
            pl.BlockSpec((RB, 1), lambda i: (i, 0)),
        ],
        out_shape=[
            jax.ShapeDtypeStruct((NP, D), jnp.float32),
            jax.ShapeDtypeStruct((NP, 1), jnp.float32),
        ],
    )(x_pad, W3, degT)


def _ln_relu(pre, lnw, lnb):
    mu = jnp.mean(pre, axis=1, keepdims=True)
    var = jnp.mean((pre - mu) ** 2, axis=1, keepdims=True)
    y = (pre - mu) * lax.rsqrt(var + 1e-5) * lnw + lnb
    return jnp.maximum(y, 0.0)


def _tc2_body(acc_ref, hp_ref, dinv_ref, b_ref, lnw_ref, lnb_ref, w_ref,
              z_ref, hpn_ref):
    a = acc_ref[0, :, :] + acc_ref[1, :, :] - hp_ref[...]
    pre = a * dinv_ref[...] + b_ref[...]
    z = _ln_relu(pre, lnw_ref[...], lnb_ref[...])
    z_ref[...] = z
    hpn_ref[...] = (
        jnp.dot(z, w_ref[...], preferred_element_type=jnp.float32) * dinv_ref[...]
    )


def _tc2(acc, hp, dinv, b, lnw, lnb, W, NP, N):
    grid = NP // RB
    return pl.pallas_call(
        _tc2_body,
        grid=(grid,),
        in_specs=[
            pl.BlockSpec((NC, RB, D), lambda i: (0, i, 0)),
            pl.BlockSpec((RB, D), lambda i: (i, 0)),
            pl.BlockSpec((RB, 1), lambda i: (i, 0)),
            pl.BlockSpec((1, D), lambda i: (0, 0)),
            pl.BlockSpec((1, D), lambda i: (0, 0)),
            pl.BlockSpec((1, D), lambda i: (0, 0)),
            pl.BlockSpec((D, D), lambda i: (0, 0)),
        ],
        out_specs=[
            pl.BlockSpec((RB, D), lambda i: (i, 0)),
            pl.BlockSpec((RB, D), lambda i: (i, 0)),
        ],
        out_shape=[
            jax.ShapeDtypeStruct((N, D), jnp.float32),
            jax.ShapeDtypeStruct((NP, D), jnp.float32),
        ],
    )(acc, hp, dinv, b, lnw, lnb, W)


def _tc3_body(acc_ref, hp_ref, dinv_ref, b_ref, lnw_ref, lnb_ref, z_ref):
    a = acc_ref[0, :, :] + acc_ref[1, :, :] - hp_ref[...]
    pre = a * dinv_ref[...] + b_ref[...]
    z_ref[...] = _ln_relu(pre, lnw_ref[...], lnb_ref[...])


def _tc3(acc, hp, dinv, b, lnw, lnb, NP, N):
    grid = NP // RB
    return pl.pallas_call(
        _tc3_body,
        grid=(grid,),
        in_specs=[
            pl.BlockSpec((NC, RB, D), lambda i: (0, i, 0)),
            pl.BlockSpec((RB, D), lambda i: (i, 0)),
            pl.BlockSpec((RB, 1), lambda i: (i, 0)),
            pl.BlockSpec((1, D), lambda i: (0, 0)),
            pl.BlockSpec((1, D), lambda i: (0, 0)),
            pl.BlockSpec((1, D), lambda i: (0, 0)),
        ],
        out_specs=pl.BlockSpec((RB, D), lambda i: (i, 0)),
        out_shape=jax.ShapeDtypeStruct((N, D), jnp.float32),
    )(acc, hp, dinv, b, lnw, lnb)


def kernel(x, all_edges, W3, b3, W4, b4, ln_w, ln_b):
    N = x.shape[0]
    E = all_edges.shape[1]

    NP = ((N + RB - 1) // RB) * RB
    assert NP % (NS * BD) == 0 and NP > N

    src = all_edges[0].astype(jnp.int32)
    dst = all_edges[1].astype(jnp.int32)

    Td = (E + NW * BD * NB - 1) // (NW * BD * NB) * NB
    padd = Td * NW * BD - E
    filld = jnp.arange(padd, dtype=jnp.int32)
    darr = jnp.concatenate([dst, N + filld % (NP - N)]).reshape(NW * Td, BD)

    T = (E + NW * BG * NBG - 1) // (NW * BG * NBG) * NBG
    pad = T * NW * BG - E
    fill = jnp.arange(pad, dtype=jnp.int32)
    src_pad = jnp.concatenate([src, fill % N])
    dst_pad = jnp.concatenate([dst, N + fill % (NP - N)])
    P = T // NBG
    inter = jnp.stack(
        [src_pad.reshape(NW, P, NBG, BG), dst_pad.reshape(NW, P, NBG, BG)],
        axis=3,
    ).reshape(NW, P, 2 * NBG, BG)
    earr = jnp.pad(
        inter, ((0, 0), (0, 0), (0, 8 - 2 * NBG), (0, 0))
    ).reshape(NW * P * 8, BG)

    b3r = b3.reshape(1, D)
    b4r = b4.reshape(1, D)
    lnwr = ln_w.reshape(1, D)
    lnbr = ln_b.reshape(1, D)

    deg = _sc_degree(darr, NP, Td)
    degT = deg.T

    h3p, dinv = _tc1(x, W3, degT, NP)
    acc1 = _sc_gcn(h3p, earr, NP, T)
    z1, h4p = _tc2(acc1, h3p, dinv, b3r, lnwr, lnbr, W4, NP, N)
    acc2 = _sc_gcn(h4p, earr, NP, T)
    z2 = _tc3(acc2, h4p, dinv, b4r, lnwr, lnbr, NP, N)

    return (z1, z2)

# --- scband reference (transcript-rebuilt; emitter-appended) ---
"""Pipeline reference for scband-upper-encoder-32349693674040 (READ-ONLY COPY).

The authoritative reference and input builder live on the scoring server;
editing this copy changes nothing except your own understanding.
"""

import jax, jax.numpy as jnp
import numpy as np


def _gcn_conv(x, edge_index, W, b):
    # Faithful PyG GCNConv: add self-loops, symmetric normalization, linear transform,
    # gather -> scale -> scatter-add, plus bias.
    N = x.shape[0]
    loop = jnp.arange(N, dtype=edge_index.dtype)
    src = jnp.concatenate([edge_index[0], loop])
    dst = jnp.concatenate([edge_index[1], loop])
    ones = jnp.ones(src.shape[0], dtype=x.dtype)
    deg = jnp.zeros((N,), dtype=x.dtype).at[dst].add(ones)
    dinv = jnp.where(deg > 0, 1.0 / jnp.sqrt(deg), 0.0)
    norm = dinv[src] * dinv[dst]
    h = x @ W
    msg = h[src] * norm[:, None]
    out = jnp.zeros((N, W.shape[1]), dtype=x.dtype).at[dst].add(msg)
    return out + b


def _layer_norm(x, w, b, eps=1e-5):
    mu = jnp.mean(x, axis=-1, keepdims=True)
    var = jnp.mean((x - mu) ** 2, axis=-1, keepdims=True)
    return (x - mu) / jnp.sqrt(var + eps) * w + b


def setup_inputs(seed: int = 0) -> dict:
    key = jax.random.key(seed)
    k_x, k_e, k_w3, k_b3, k_w4, k_b4 = jax.random.split(key, 6)
    N, E = 10000, 320000
    d_in, d_out = 128, 128
    x = jax.random.normal(k_x, (N, d_in), dtype=jnp.float32)
    all_edges = jax.random.randint(k_e, (2, E), 0, N, dtype=jnp.int64)
    s_in = 1.0 / np.sqrt(d_in)
    s_out = 1.0 / np.sqrt(d_out)
    W3 = jax.random.uniform(k_w3, (d_in, d_out), dtype=jnp.float32, minval=-s_in, maxval=s_in)
    b3 = jax.random.uniform(k_b3, (d_out,), dtype=jnp.float32, minval=-s_in, maxval=s_in)
    W4 = jax.random.uniform(k_w4, (d_out, d_out), dtype=jnp.float32, minval=-s_out, maxval=s_out)
    b4 = jax.random.uniform(k_b4, (d_out,), dtype=jnp.float32, minval=-s_out, maxval=s_out)
    ln_w = jnp.ones((d_out,), dtype=jnp.float32)
    ln_b = jnp.zeros((d_out,), dtype=jnp.float32)
    return {"x": x, "all_edges": all_edges, "W3": W3, "b3": b3, "W4": W4, "b4": b4, "ln_w": ln_w, "ln_b": ln_b}


def reference(x, all_edges, W3, b3, W4, b4, ln_w, ln_b):
    z1 = jax.nn.relu(_layer_norm(_gcn_conv(x, all_edges, W3, b3), ln_w, ln_b))
    z2 = jax.nn.relu(_layer_norm(_gcn_conv(z1, all_edges, W4, b4), ln_w, ln_b))
    return (z1, z2)

if __name__ == "__main__":
    import jax
    _d = setup_inputs()
    print(jax.jit(kernel)(*tuple(_d.values())))

</pallas_src>

<mosaic_0001>
#map = affine_map<(d0, d1) -> (0, 0)>
#map1 = affine_map<(d0, d1) -> (0, 0, 0)>
module attributes {stable_mosaic.version = 14 : i64} {
  func.func @_gcn_body(%arg0: i32, %arg1: i32, %arg2: memref<10240x128xf32, #tpu.memory_space<hbm>>, %arg3: memref<7168x120xi32, #tpu.memory_space<hbm>>, %arg4: memref<2x10240x128xf32, #tpu.memory_space<hbm>>, %arg5: memref<10240x128xf32, #tpu.memory_space<vmem_shared>>, %arg6: memref<16x120xi32, #tpu.memory_space<vmem>>, %arg7: memref<120x128xf32, #tpu.memory_space<vmem>>, %arg8: memref<120x128xf32, #tpu.memory_space<vmem>>, %arg9: memref<120x128xf32, #tpu.memory_space<vmem>>, %arg10: memref<!tpu.dma_semaphore, #tpu.memory_space<semaphore_mem>>, %arg11: memref<!tpu.dma_semaphore, #tpu.memory_space<semaphore_mem>>, %arg12: memref<!tpu.dma_semaphore, #tpu.memory_space<semaphore_mem>>, %arg13: memref<!tpu.dma_semaphore, #tpu.memory_space<semaphore_mem>>, %arg14: memref<!tpu.dma_semaphore, #tpu.memory_space<semaphore_mem>>, %arg15: memref<!tpu.dma_semaphore, #tpu.memory_space<semaphore_mem>>, %arg16: memref<!tpu.dma_semaphore, #tpu.memory_space<semaphore_mem>>) attributes {dimension_semantics = [#tpu.dimension_semantics<core_parallel>, #tpu.dimension_semantics<subcore_parallel>], iteration_bounds = array<i64: 2, 16>, scalar_prefetch = 0 : i64, scratch_operands = 12 : i64, tpu.core_type = #tpu.core_type<sc_vector_subcore>, window_params = [{transform_indices = #map}, {transform_indices = #map}, {transform_indices = #map1}]} {
    %mul3A = arith.constant 16 : i32
    %mul3A_0 = arith.muli %arg0, %mul3A : i32
    %add3A = arith.addi %mul3A_0, %arg1 : i32
    %mul3A_1 = arith.constant 84 : i32
    %mul3A_2 = arith.muli %add3A, %mul3A_1 : i32
    %mul3A_3 = arith.constant 640 : i32
    %mul3A_4 = arith.muli %arg1, %mul3A_3 : i32
    %mul3A_5 = arith.constant 640 : i32
    %mul3A_6 = arith.muli %arg1, %mul3A_5 : i32
    "tpu.region"() ({
      %run_scoped3A = tpu.sem_alloc : memref<!tpu.dma_semaphore, #tpu.memory_space<semaphore_mem>>
      %dma_start3A_39 = arith.constant 0 : i32
      %dma_start3A_40 = tpu.memref_slice %arg5[%mul3A_6, %dma_start3A_39] : memref<10240x128xf32, #tpu.memory_space<vmem_shared>> -> memref<640x128xf32, #tpu.memory_space<vmem_shared>>
      %dma_start3A_41 = arith.constant 0 : i32
      %dma_start3A_42 = tpu.memref_slice %arg2[%mul3A_4, %dma_start3A_41] : memref<10240x128xf32, #tpu.memory_space<hbm>> -> memref<640x128xf32, #tpu.memory_space<hbm>>
      tpu.enqueue_dma source(%dma_start3A_42 : memref<640x128xf32, #tpu.memory_space<hbm>>) target(%dma_start3A_40 : memref<640x128xf32, #tpu.memory_space<vmem_shared>>) target_semaphore(%run_scoped3A : memref<!tpu.dma_semaphore, #tpu.memory_space<semaphore_mem>>)
      %dma_wait3A_43 = arith.constant 0 : i32
      %dma_wait3A_44 = tpu.memref_slice %arg5[%mul3A_6, %dma_wait3A_43] : memref<10240x128xf32, #tpu.memory_space<vmem_shared>> -> memref<640x128xf32, #tpu.memory_space<vmem_shared>>
      %dma_wait3A_45 = arith.constant 0 : i32
      %dma_wait3A_46 = tpu.memref_slice %arg2[%mul3A_4, %dma_wait3A_45] : memref<10240x128xf32, #tpu.memory_space<hbm>> -> memref<640x128xf32, #tpu.memory_space<hbm>>
      tpu.wait_dma2 semaphore(%run_scoped3A : memref<!tpu.dma_semaphore, #tpu.memory_space<semaphore_mem>>) src(%dma_wait3A_46 : memref<640x128xf32, #tpu.memory_space<hbm>>) dst(%dma_wait3A_44 : memref<640x128xf32, #tpu.memory_space<vmem_shared>>)
      tpu.yield
    }) : () -> ()
    %barrier3A = arith.constant 0 : index
    tpu.barrier barrier_id(%barrier3A)
    %mul3A_7 = arith.constant 8 : i32
    %mul3A_8 = arith.muli %mul3A_7, %add3A : i32
    %mul3A_9 = arith.constant 28 : i32
    %mul3A_10 = arith.muli %mul3A_8, %mul3A_9 : i32
    "tpu.region"() ({
      %run_scoped3A = tpu.sem_alloc : memref<!tpu.dma_semaphore, #tpu.memory_space<semaphore_mem>>
      %dma_start3A_39 = arith.constant 0 : i32
      %dma_start3A_40 = arith.constant 0 : i32
      %dma_start3A_41 = tpu.memref_slice %arg6[%dma_start3A_39, %dma_start3A_40] : memref<16x120xi32, #tpu.memory_space<vmem>> -> memref<8x120xi32, #tpu.memory_space<vmem>>
      %dma_start3A_42 = arith.constant 0 : i32
      %dma_start3A_43 = tpu.memref_slice %arg3[%mul3A_10, %dma_start3A_42] : memref<7168x120xi32, #tpu.memory_space<hbm>> -> memref<8x120xi32, #tpu.memory_space<hbm>>
      %dma_start3A_44 = arith.constant 0 : i32
      %dma_start3A_45 = arith.constant 0 : i32
      %dma_start3A_46 = tpu.memref_slice %arg6[%dma_start3A_44, %dma_start3A_45] : memref<16x120xi32, #tpu.memory_space<vmem>> -> memref<8x120xi32, #tpu.memory_space<vmem>>
      %dma_start3A_47 = arith.constant 0 : i32
      %dma_start3A_48 = tpu.memref_slice %arg3[%mul3A_10, %dma_start3A_47] : memref<7168x120xi32, #tpu.memory_space<hbm>> -> memref<8x120xi32, #tpu.memory_space<hbm>>
      tpu.enqueue_dma source(%dma_start3A_48 : memref<8x120xi32, #tpu.memory_space<hbm>>) target(%dma_start3A_46 : memref<8x120xi32, #tpu.memory_space<vmem>>) target_semaphore(%run_scoped3A : memref<!tpu.dma_semaphore, #tpu.memory_space<semaphore_mem>>)
      %dma_wait3A_49 = arith.constant 0 : i32
      %dma_wait3A_50 = arith.constant 0 : i32
      %dma_wait3A_51 = tpu.memref_slice %arg6[%dma_wait3A_49, %dma_wait3A_50] : memref<16x120xi32, #tpu.memory_space<vmem>> -> memref<8x120xi32, #tpu.memory_space<vmem>>
      %dma_wait3A_52 = arith.constant 0 : i32
      %dma_wait3A_53 = tpu.memref_slice %arg3[%mul3A_10, %dma_wait3A_52] : memref<7168x120xi32, #tpu.memory_space<hbm>> -> memref<8x120xi32, #tpu.memory_space<hbm>>
      %dma_wait3A_54 = arith.constant 0 : i32
      %dma_wait3A_55 = arith.constant 0 : i32
      %dma_wait3A_56 = tpu.memref_slice %arg6[%dma_wait3A_54, %dma_wait3A_55] : memref<16x120xi32, #tpu.memory_space<vmem>> -> memref<8x120xi32, #tpu.memory_space<vmem>>
      %dma_wait3A_57 = arith.constant 0 : i32
      %dma_wait3A_58 = tpu.memref_slice %arg3[%mul3A_10, %dma_wait3A_57] : memref<7168x120xi32, #tpu.memory_space<hbm>> -> memref<8x120xi32, #tpu.memory_space<hbm>>
      tpu.wait_dma2 semaphore(%run_scoped3A : memref<!tpu.dma_semaphore, #tpu.memory_space<semaphore_mem>>) src(%dma_wait3A_58 : memref<8x120xi32, #tpu.memory_space<hbm>>) dst(%dma_wait3A_56 : memref<8x120xi32, #tpu.memory_space<vmem>>)
      tpu.yield
    }) : () -> ()
    %dma_start3A = arith.constant 0 : i32
    %dma_start3A_11 = arith.constant 0 : i32
    %dma_start3A_12 = tpu.memref_slice %arg6[%dma_start3A, %dma_start3A_11] : memref<16x120xi32, #tpu.memory_space<vmem>> -> memref<1x120xi32, #tpu.memory_space<vmem>>
    %dma_start3A_13 = tpu.memref_squeeze %dma_start3A_12 : memref<1x120xi32, #tpu.memory_space<vmem>> -> memref<120xi32, #tpu.memory_space<vmem>>
    %dma_start3A_14 = arith.constant 0 : i32
    %dma_start3A_15 = arith.constant 0 : i32
    %dma_start3A_16 = tpu.memref_slice %arg2[%dma_start3A_14, %dma_start3A_15] : memref<10240x128xf32, #tpu.memory_space<hbm>> -> memref<10240x128xf32, #tpu.memory_space<hbm>>
    tpu.enqueue_indirect_dma source(%dma_start3A_16 : memref<10240x128xf32, #tpu.memory_space<hbm>>) target(%arg7 : memref<120x128xf32, #tpu.memory_space<vmem>>) offsets(%dma_start3A_13 : memref<120xi32, #tpu.memory_space<vmem>>) semaphore(%arg10 : memref<!tpu.dma_semaphore, #tpu.memory_space<semaphore_mem>>)
    %dma_start3A_17 = arith.constant 2 : i32
    %dma_start3A_18 = arith.constant 0 : i32
    %dma_start3A_19 = tpu.memref_slice %arg6[%dma_start3A_17, %dma_start3A_18] : memref<16x120xi32, #tpu.memory_space<vmem>> -> memref<1x120xi32, #tpu.memory_space<vmem>>
    %dma_start3A_20 = tpu.memref_squeeze %dma_start3A_19 : memref<1x120xi32, #tpu.memory_space<vmem>> -> memref<120xi32, #tpu.memory_space<vmem>>
    %dma_start3A_21 = arith.constant 0 : i32
    %dma_start3A_22 = arith.constant 0 : i32
    %dma_start3A_23 = tpu.memref_slice %arg2[%dma_start3A_21, %dma_start3A_22] : memref<10240x128xf32, #tpu.memory_space<hbm>> -> memref<10240x128xf32, #tpu.memory_space<hbm>>
    tpu.enqueue_indirect_dma source(%dma_start3A_23 : memref<10240x128xf32, #tpu.memory_space<hbm>>) target(%arg8 : memref<120x128xf32, #tpu.memory_space<vmem>>) offsets(%dma_start3A_20 : memref<120xi32, #tpu.memory_space<vmem>>) semaphore(%arg11 : memref<!tpu.dma_semaphore, #tpu.memory_space<semaphore_mem>>)
    %scan3A = arith.constant 0 : i32
    %scan3A_24 = arith.constant 28 : i32
    %scan3A_25 = arith.addi %scan3A, %scan3A_24 : i32
    %scan3A_26 = arith.constant 1 : i32
    scf.for %scan3A_39 = %scan3A to %scan3A_25 step %scan3A_26  : i32 {
      %jit3A = arith.constant 2 : i32
      %eq3A = arith.constant 0 : i32
      %eq3A_40 = arith.cmpi eq, %jit3A, %eq3A : i32
      %jit3A_41 = arith.constant 1 : i32
      %select_n3A = arith.select %eq3A_40, %jit3A_41, %jit3A : i32
      %rem3A = arith.remsi %scan3A_39, %select_n3A : i32
      %ne3A = arith.constant 0 : i32
      %ne3A_42 = arith.cmpi ne, %rem3A, %ne3A : i32
      %lt3A = arith.constant 0 : i32
      %lt3A_43 = arith.cmpi slt, %rem3A, %lt3A : i32
      %lt3A_44 = arith.constant 0 : i32
      %lt3A_45 = arith.cmpi slt, %select_n3A, %lt3A_44 : i32
      %ne3A_46 = arith.xori %lt3A_43, %lt3A_45 : i1
      %and3A = arith.andi %ne3A_46, %ne3A_42 : i1
      %add3A_47 = arith.addi %rem3A, %select_n3A : i32
      %select_n3A_48 = arith.select %and3A, %add3A_47, %rem3A : i32
      %mul3A_49 = arith.constant 8 : i32
      %mul3A_50 = arith.muli %select_n3A_48, %mul3A_49 : i32
      %add3A_51 = arith.constant 1 : i32
      %add3A_52 = arith.addi %scan3A_39, %add3A_51 : i32
      %jit3A_53 = arith.constant 2 : i32
      %eq3A_54 = arith.constant 0 : i32
      %eq3A_55 = arith.cmpi eq, %jit3A_53, %eq3A_54 : i32
      %jit3A_56 = arith.constant 1 : i32
      %select_n3A_57 = arith.select %eq3A_55, %jit3A_56, %jit3A_53 : i32
      %rem3A_58 = arith.remsi %add3A_52, %select_n3A_57 : i32
      %ne3A_59 = arith.constant 0 : i32
      %ne3A_60 = arith.cmpi ne, %rem3A_58, %ne3A_59 : i32
      %lt3A_61 = arith.constant 0 : i32
      %lt3A_62 = arith.cmpi slt, %rem3A_58, %lt3A_61 : i32
      %lt3A_63 = arith.constant 0 : i32
      %lt3A_64 = arith.cmpi slt, %select_n3A_57, %lt3A_63 : i32
      %ne3A_65 = arith.xori %lt3A_62, %lt3A_64 : i1
      %and3A_66 = arith.andi %ne3A_65, %ne3A_60 : i1
      %add3A_67 = arith.addi %rem3A_58, %select_n3A_57 : i32
      %select_n3A_68 = arith.select %and3A_66, %add3A_67, %rem3A_58 : i32
      %mul3A_69 = arith.constant 8 : i32
      %mul3A_70 = arith.muli %select_n3A_68, %mul3A_69 : i32
      %add3A_71 = arith.constant 0 : i32
      %add3A_72 = arith.addi %mul3A_50, %add3A_71 : i32
      %dma_wait3A_73 = arith.constant 0 : i32
      %dma_wait3A_74 = tpu.memref_slice %arg6[%add3A_72, %dma_wait3A_73] : memref<16x120xi32, #tpu.memory_space<vmem>> -> memref<1x120xi32, #tpu.memory_space<vmem>>
      %dma_wait3A_75 = tpu.memref_squeeze %dma_wait3A_74 : memref<1x120xi32, #tpu.memory_space<vmem>> -> memref<120xi32, #tpu.memory_space<vmem>>
      %dma_wait3A_76 = arith.constant 0 : i32
      %dma_wait3A_77 = arith.constant 0 : i32
      %dma_wait3A_78 = tpu.memref_slice %arg2[%dma_wait3A_76, %dma_wait3A_77] : memref<10240x128xf32, #tpu.memory_space<hbm>> -> memref<10240x128xf32, #tpu.memory_space<hbm>>
      tpu.wait_indirect_dma semaphore(%arg10 : memref<!tpu.dma_semaphore, #tpu.memory_space<semaphore_mem>>) src(%dma_wait3A_78 : memref<10240x128xf32, #tpu.memory_space<hbm>>) dst(%arg7 : memref<120x128xf32, #tpu.memory_space<vmem>>)
      %add3A_79 = arith.constant 0 : i32
      %add3A_80 = arith.addi %mul3A_50, %add3A_79 : i32
      %add3A_81 = arith.constant 1 : i32
      %add3A_82 = arith.addi %add3A_80, %add3A_81 : i32
      %dma_start3A_83 = arith.constant 0 : i32
      %dma_start3A_84 = tpu.memref_slice %arg6[%add3A_82, %dma_start3A_83] : memref<16x120xi32, #tpu.memory_space<vmem>> -> memref<1x120xi32, #tpu.memory_space<vmem>>
      %dma_start3A_85 = tpu.memref_squeeze %dma_start3A_84 : memref<1x120xi32, #tpu.memory_space<vmem>> -> memref<120xi32, #tpu.memory_space<vmem>>
      %dma_start3A_86 = arith.constant 0 : i32
      %dma_start3A_87 = arith.constant 0 : i32
      %dma_start3A_88 = tpu.memref_slice %arg5[%dma_start3A_86, %dma_start3A_87] : memref<10240x128xf32, #tpu.memory_space<vmem_shared>> -> memref<10240x128xf32, #tpu.memory_space<vmem_shared>>
      tpu.enqueue_indirect_dma source(%arg7 : memref<120x128xf32, #tpu.memory_space<vmem>>) target(%dma_start3A_88 : memref<10240x128xf32, #tpu.memory_space<vmem_shared>>) offsets(%dma_start3A_85 : memref<120xi32, #tpu.memory_space<vmem>>) semaphore(%arg13 : memref<!tpu.dma_semaphore, #tpu.memory_space<semaphore_mem>>) {add = true}
      %gt3A = arith.constant 0 : i32
      %gt3A_89 = arith.cmpi sgt, %scan3A_39, %gt3A : i32
      %convert_element_type3A = arith.extui %gt3A_89 : i1 to i32
      %cond3A = arith.constant 0 : i32
      %cond3A_90 = arith.cmpi ne, %convert_element_type3A, %cond3A : i32
      scf.if %cond3A_90 {
        %add3A_183 = arith.constant 4 : i32
        %add3A_184 = arith.addi %mul3A_70, %add3A_183 : i32
        %add3A_185 = arith.constant 1 : i32
        %add3A_186 = arith.addi %add3A_184, %add3A_185 : i32
        %dma_wait3A_187 = arith.constant 0 : i32
        %dma_wait3A_188 = tpu.memref_slice %arg6[%add3A_186, %dma_wait3A_187] : memref<16x120xi32, #tpu.memory_space<vmem>> -> memref<1x120xi32, #tpu.memory_space<vmem>>
        %dma_wait3A_189 = tpu.memref_squeeze %dma_wait3A_188 : memref<1x120xi32, #tpu.memory_space<vmem>> -> memref<120xi32, #tpu.memory_space<vmem>>
        %dma_wait3A_190 = arith.constant 0 : i32
        %dma_wait3A_191 = arith.constant 0 : i32
        %dma_wait3A_192 = tpu.memref_slice %arg5[%dma_wait3A_190, %dma_wait3A_191] : memref<10240x128xf32, #tpu.memory_space<vmem_shared>> -> memref<10240x128xf32, #tpu.memory_space<vmem_shared>>
        tpu.wait_indirect_dma semaphore(%arg15 : memref<!tpu.dma_semaphore, #tpu.memory_space<semaphore_mem>>) src(%arg9 : memref<120x128xf32, #tpu.memory_space<vmem>>) dst(%dma_wait3A_192 : memref<10240x128xf32, #tpu.memory_space<vmem_shared>>)
      } else {
      }
      %add3A_91 = arith.constant 1 : i32
      %add3A_92 = arith.addi %scan3A_39, %add3A_91 : i32
      %lt3A_93 = arith.constant 28 : i32
      %lt3A_94 = arith.cmpi slt, %add3A_92, %lt3A_93 : i32
      %convert_element_type3A_95 = arith.extui %lt3A_94 : i1 to i32
      %cond3A_96 = arith.constant 0 : i32
      %cond3A_97 = arith.cmpi ne, %convert_element_type3A_95, %cond3A_96 : i32
      scf.if %cond3A_97 {
        %mul3A_183 = arith.constant 28 : i32
        %mul3A_184 = arith.muli %add3A, %mul3A_183 : i32
        %add3A_185 = arith.addi %mul3A_184, %scan3A_39 : i32
        %add3A_186 = arith.constant 1 : i32
        %add3A_187 = arith.addi %add3A_185, %add3A_186 : i32
        %mul3A_188 = arith.constant 8 : i32
        %mul3A_189 = arith.muli %mul3A_188, %add3A_187 : i32
        %dma_start3A_190 = arith.constant 0 : i32
        %dma_start3A_191 = tpu.memref_slice %arg6[%mul3A_70, %dma_start3A_190] : memref<16x120xi32, #tpu.memory_space<vmem>> -> memref<8x120xi32, #tpu.memory_space<vmem>>
        %dma_start3A_192 = arith.constant 0 : i32
        %dma_start3A_193 = tpu.memref_slice %arg3[%mul3A_189, %dma_start3A_192] : memref<7168x120xi32, #tpu.memory_space<hbm>> -> memref<8x120xi32, #tpu.memory_space<hbm>>
        %dma_start3A_194 = arith.constant 0 : i32
        %dma_start3A_195 = tpu.memref_slice %arg6[%mul3A_70, %dma_start3A_194] : memref<16x120xi32, #tpu.memory_space<vmem>> -> memref<8x120xi32, #tpu.memory_space<vmem>>
        %dma_start3A_196 = arith.constant 0 : i32
        %dma_start3A_197 = tpu.memref_slice %arg3[%mul3A_189, %dma_start3A_196] : memref<7168x120xi32, #tpu.memory_space<hbm>> -> memref<8x120xi32, #tpu.memory_space<hbm>>
        tpu.enqueue_dma source(%dma_start3A_197 : memref<8x120xi32, #tpu.memory_space<hbm>>) target(%dma_start3A_195 : memref<8x120xi32, #tpu.memory_space<vmem>>) target_semaphore(%arg16 : memref<!tpu.dma_semaphore, #tpu.memory_space<semaphore_mem>>)
      } else {
      }
      %add3A_98 = arith.constant 4 : i32
      %add3A_99 = arith.addi %mul3A_50, %add3A_98 : i32
      %dma_start3A_100 = arith.constant 0 : i32
      %dma_start3A_101 = tpu.memref_slice %arg6[%add3A_99, %dma_start3A_100] : memref<16x120xi32, #tpu.memory_space<vmem>> -> memref<1x120xi32, #tpu.memory_space<vmem>>
      %dma_start3A_102 = tpu.memref_squeeze %dma_start3A_101 : memref<1x120xi32, #tpu.memory_space<vmem>> -> memref<120xi32, #tpu.memory_space<vmem>>
      %dma_start3A_103 = arith.constant 0 : i32
      %dma_start3A_104 = arith.constant 0 : i32
      %dma_start3A_105 = tpu.memref_slice %arg2[%dma_start3A_103, %dma_start3A_104] : memref<10240x128xf32, #tpu.memory_space<hbm>> -> memref<10240x128xf32, #tpu.memory_space<hbm>>
      tpu.enqueue_indirect_dma source(%dma_start3A_105 : memref<10240x128xf32, #tpu.memory_space<hbm>>) target(%arg9 : memref<120x128xf32, #tpu.memory_space<vmem>>) offsets(%dma_start3A_102 : memref<120xi32, #tpu.memory_space<vmem>>) semaphore(%arg12 : memref<!tpu.dma_semaphore, #tpu.memory_space<semaphore_mem>>)
      %add3A_106 = arith.constant 2 : i32
      %add3A_107 = arith.addi %mul3A_50, %add3A_106 : i32
      %dma_wait3A_108 = arith.constant 0 : i32
      %dma_wait3A_109 = tpu.memref_slice %arg6[%add3A_107, %dma_wait3A_108] : memref<16x120xi32, #tpu.memory_space<vmem>> -> memref<1x120xi32, #tpu.memory_space<vmem>>
      %dma_wait3A_110 = tpu.memref_squeeze %dma_wait3A_109 : memref<1x120xi32, #tpu.memory_space<vmem>> -> memref<120xi32, #tpu.memory_space<vmem>>
      %dma_wait3A_111 = arith.constant 0 : i32
      %dma_wait3A_112 = arith.constant 0 : i32
      %dma_wait3A_113 = tpu.memref_slice %arg2[%dma_wait3A_111, %dma_wait3A_112] : memref<10240x128xf32, #tpu.memory_space<hbm>> -> memref<10240x128xf32, #tpu.memory_space<hbm>>
      tpu.wait_indirect_dma semaphore(%arg11 : memref<!tpu.dma_semaphore, #tpu.memory_space<semaphore_mem>>) src(%dma_wait3A_113 : memref<10240x128xf32, #tpu.memory_space<hbm>>) dst(%arg8 : memref<120x128xf32, #tpu.memory_space<vmem>>)
      %add3A_114 = arith.constant 2 : i32
      %add3A_115 = arith.addi %mul3A_50, %add3A_114 : i32
      %add3A_116 = arith.constant 1 : i32
      %add3A_117 = arith.addi %add3A_115, %add3A_116 : i32
      %dma_start3A_118 = arith.constant 0 : i32
      %dma_start3A_119 = tpu.memref_slice %arg6[%add3A_117, %dma_start3A_118] : memref<16x120xi32, #tpu.memory_space<vmem>> -> memref<1x120xi32, #tpu.memory_space<vmem>>
      %dma_start3A_120 = tpu.memref_squeeze %dma_start3A_119 : memref<1x120xi32, #tpu.memory_space<vmem>> -> memref<120xi32, #tpu.memory_space<vmem>>
      %dma_start3A_121 = arith.constant 0 : i32
      %dma_start3A_122 = arith.constant 0 : i32
      %dma_start3A_123 = tpu.memref_slice %arg5[%dma_start3A_121, %dma_start3A_122] : memref<10240x128xf32, #tpu.memory_space<vmem_shared>> -> memref<10240x128xf32, #tpu.memory_space<vmem_shared>>
      tpu.enqueue_indirect_dma source(%arg8 : memref<120x128xf32, #tpu.memory_space<vmem>>) target(%dma_start3A_123 : memref<10240x128xf32, #tpu.memory_space<vmem_shared>>) offsets(%dma_start3A_120 : memref<120xi32, #tpu.memory_space<vmem>>) semaphore(%arg14 : memref<!tpu.dma_semaphore, #tpu.memory_space<semaphore_mem>>) {add = true}
      %add3A_124 = arith.constant 0 : i32
      %add3A_125 = arith.addi %mul3A_50, %add3A_124 : i32
      %add3A_126 = arith.constant 1 : i32
      %add3A_127 = arith.addi %add3A_125, %add3A_126 : i32
      %dma_wait3A_128 = arith.constant 0 : i32
      %dma_wait3A_129 = tpu.memref_slice %arg6[%add3A_127, %dma_wait3A_128] : memref<16x120xi32, #tpu.memory_space<vmem>> -> memref<1x120xi32, #tpu.memory_space<vmem>>
      %dma_wait3A_130 = tpu.memref_squeeze %dma_wait3A_129 : memref<1x120xi32, #tpu.memory_space<vmem>> -> memref<120xi32, #tpu.memory_space<vmem>>
      %dma_wait3A_131 = arith.constant 0 : i32
      %dma_wait3A_132 = arith.constant 0 : i32
      %dma_wait3A_133 = tpu.memref_slice %arg5[%dma_wait3A_131, %dma_wait3A_132] : memref<10240x128xf32, #tpu.memory_space<vmem_shared>> -> memref<10240x128xf32, #tpu.memory_space<vmem_shared>>
      tpu.wait_indirect_dma semaphore(%arg13 : memref<!tpu.dma_semaphore, #tpu.memory_space<semaphore_mem>>) src(%arg7 : memref<120x128xf32, #tpu.memory_space<vmem>>) dst(%dma_wait3A_133 : memref<10240x128xf32, #tpu.memory_space<vmem_shared>>)
      %add3A_134 = arith.constant 1 : i32
      %add3A_135 = arith.addi %scan3A_39, %add3A_134 : i32
      %lt3A_136 = arith.constant 28 : i32
      %lt3A_137 = arith.cmpi slt, %add3A_135, %lt3A_136 : i32
      %convert_element_type3A_138 = arith.extui %lt3A_137 : i1 to i32
      %cond3A_139 = arith.constant 0 : i32
      %cond3A_140 = arith.cmpi ne, %convert_element_type3A_138, %cond3A_139 : i32
      scf.if %cond3A_140 {
        %mul3A_183 = arith.constant 8 : i32
        %mul3A_184 = arith.muli %mul3A_183, %add3A : i32
        %mul3A_185 = arith.constant 28 : i32
        %mul3A_186 = arith.muli %mul3A_184, %mul3A_185 : i32
        %dma_wait3A_187 = arith.constant 0 : i32
        %dma_wait3A_188 = tpu.memref_slice %arg6[%mul3A_70, %dma_wait3A_187] : memref<16x120xi32, #tpu.memory_space<vmem>> -> memref<8x120xi32, #tpu.memory_space<vmem>>
        %dma_wait3A_189 = arith.constant 0 : i32
        %dma_wait3A_190 = tpu.memref_slice %arg3[%mul3A_186, %dma_wait3A_189] : memref<7168x120xi32, #tpu.memory_space<hbm>> -> memref<8x120xi32, #tpu.memory_space<hbm>>
        %dma_wait3A_191 = arith.constant 0 : i32
        %dma_wait3A_192 = tpu.memref_slice %arg6[%mul3A_70, %dma_wait3A_191] : memref<16x120xi32, #tpu.memory_space<vmem>> -> memref<8x120xi32, #tpu.memory_space<vmem>>
        %dma_wait3A_193 = arith.constant 0 : i32
        %dma_wait3A_194 = tpu.memref_slice %arg3[%mul3A_186, %dma_wait3A_193] : memref<7168x120xi32, #tpu.memory_space<hbm>> -> memref<8x120xi32, #tpu.memory_space<hbm>>
        tpu.wait_dma2 semaphore(%arg16 : memref<!tpu.dma_semaphore, #tpu.memory_space<semaphore_mem>>) src(%dma_wait3A_194 : memref<8x120xi32, #tpu.memory_space<hbm>>) dst(%dma_wait3A_192 : memref<8x120xi32, #tpu.memory_space<vmem>>)
      } else {
      }
      %add3A_141 = arith.constant 1 : i32
      %add3A_142 = arith.addi %scan3A_39, %add3A_141 : i32
      %lt3A_143 = arith.constant 28 : i32
      %lt3A_144 = arith.cmpi slt, %add3A_142, %lt3A_143 : i32
      %convert_element_type3A_145 = arith.extui %lt3A_144 : i1 to i32
      %cond3A_146 = arith.constant 0 : i32
      %cond3A_147 = arith.cmpi ne, %convert_element_type3A_145, %cond3A_146 : i32
      scf.if %cond3A_147 {
        %add3A_183 = arith.constant 0 : i32
        %add3A_184 = arith.addi %mul3A_70, %add3A_183 : i32
        %dma_start3A_185 = arith.constant 0 : i32
        %dma_start3A_186 = tpu.memref_slice %arg6[%add3A_184, %dma_start3A_185] : memref<16x120xi32, #tpu.memory_space<vmem>> -> memref<1x120xi32, #tpu.memory_space<vmem>>
        %dma_start3A_187 = tpu.memref_squeeze %dma_start3A_186 : memref<1x120xi32, #tpu.memory_space<vmem>> -> memref<120xi32, #tpu.memory_space<vmem>>
        %dma_start3A_188 = arith.constant 0 : i32
        %dma_start3A_189 = arith.constant 0 : i32
        %dma_start3A_190 = tpu.memref_slice %arg2[%dma_start3A_188, %dma_start3A_189] : memref<10240x128xf32, #tpu.memory_space<hbm>> -> memref<10240x128xf32, #tpu.memory_space<hbm>>
        tpu.enqueue_indirect_dma source(%dma_start3A_190 : memref<10240x128xf32, #tpu.memory_space<hbm>>) target(%arg7 : memref<120x128xf32, #tpu.memory_space<vmem>>) offsets(%dma_start3A_187 : memref<120xi32, #tpu.memory_space<vmem>>) semaphore(%arg10 : memref<!tpu.dma_semaphore, #tpu.memory_space<semaphore_mem>>)
      } else {
      }
      %add3A_148 = arith.constant 4 : i32
      %add3A_149 = arith.addi %mul3A_50, %add3A_148 : i32
      %dma_wait3A_150 = arith.constant 0 : i32
      %dma_wait3A_151 = tpu.memref_slice %arg6[%add3A_149, %dma_wait3A_150] : memref<16x120xi32, #tpu.memory_space<vmem>> -> memref<1x120xi32, #tpu.memory_space<vmem>>
      %dma_wait3A_152 = tpu.memref_squeeze %dma_wait3A_151 : memref<1x120xi32, #tpu.memory_space<vmem>> -> memref<120xi32, #tpu.memory_space<vmem>>
      %dma_wait3A_153 = arith.constant 0 : i32
      %dma_wait3A_154 = arith.constant 0 : i32
      %dma_wait3A_155 = tpu.memref_slice %arg2[%dma_wait3A_153, %dma_wait3A_154] : memref<10240x128xf32, #tpu.memory_space<hbm>> -> memref<10240x128xf32, #tpu.memory_space<hbm>>
      tpu.wait_indirect_dma semaphore(%arg12 : memref<!tpu.dma_semaphore, #tpu.memory_space<semaphore_mem>>) src(%dma_wait3A_155 : memref<10240x128xf32, #tpu.memory_space<hbm>>) dst(%arg9 : memref<120x128xf32, #tpu.memory_space<vmem>>)
      %add3A_156 = arith.constant 4 : i32
      %add3A_157 = arith.addi %mul3A_50, %add3A_156 : i32
      %add3A_158 = arith.constant 1 : i32
      %add3A_159 = arith.addi %add3A_157, %add3A_158 : i32
      %dma_start3A_160 = arith.constant 0 : i32
      %dma_start3A_161 = tpu.memref_slice %arg6[%add3A_159, %dma_start3A_160] : memref<16x120xi32, #tpu.memory_space<vmem>> -> memref<1x120xi32, #tpu.memory_space<vmem>>
      %dma_start3A_162 = tpu.memref_squeeze %dma_start3A_161 : memref<1x120xi32, #tpu.memory_space<vmem>> -> memref<120xi32, #tpu.memory_space<vmem>>
      %dma_start3A_163 = arith.constant 0 : i32
      %dma_start3A_164 = arith.constant 0 : i32
      %dma_start3A_165 = tpu.memref_slice %arg5[%dma_start3A_163, %dma_start3A_164] : memref<10240x128xf32, #tpu.memory_space<vmem_shared>> -> memref<10240x128xf32, #tpu.memory_space<vmem_shared>>
      tpu.enqueue_indirect_dma source(%arg9 : memref<120x128xf32, #tpu.memory_space<vmem>>) target(%dma_start3A_165 : memref<10240x128xf32, #tpu.memory_space<vmem_shared>>) offsets(%dma_start3A_162 : memref<120xi32, #tpu.memory_space<vmem>>) semaphore(%arg15 : memref<!tpu.dma_semaphore, #tpu.memory_space<semaphore_mem>>) {add = true}
      %add3A_166 = arith.constant 2 : i32
      %add3A_167 = arith.addi %mul3A_50, %add3A_166 : i32
      %add3A_168 = arith.constant 1 : i32
      %add3A_169 = arith.addi %add3A_167, %add3A_168 : i32
      %dma_wait3A_170 = arith.constant 0 : i32
      %dma_wait3A_171 = tpu.memref_slice %arg6[%add3A_169, %dma_wait3A_170] : memref<16x120xi32, #tpu.memory_space<vmem>> -> memref<1x120xi32, #tpu.memory_space<vmem>>
      %dma_wait3A_172 = tpu.memref_squeeze %dma_wait3A_171 : memref<1x120xi32, #tpu.memory_space<vmem>> -> memref<120xi32, #tpu.memory_space<vmem>>
      %dma_wait3A_173 = arith.constant 0 : i32
      %dma_wait3A_174 = arith.constant 0 : i32
      %dma_wait3A_175 = tpu.memref_slice %arg5[%dma_wait3A_173, %dma_wait3A_174] : memref<10240x128xf32, #tpu.memory_space<vmem_shared>> -> memref<10240x128xf32, #tpu.memory_space<vmem_shared>>
      tpu.wait_indirect_dma semaphore(%arg14 : memref<!tpu.dma_semaphore, #tpu.memory_space<semaphore_mem>>) src(%arg8 : memref<120x128xf32, #tpu.memory_space<vmem>>) dst(%dma_wait3A_175 : memref<10240x128xf32, #tpu.memory_space<vmem_shared>>)
      %add3A_176 = arith.constant 1 : i32
      %add3A_177 = arith.addi %scan3A_39, %add3A_176 : i32
      %lt3A_178 = arith.constant 28 : i32
      %lt3A_179 = arith.cmpi slt, %add3A_177, %lt3A_178 : i32
      %convert_element_type3A_180 = arith.extui %lt3A_179 : i1 to i32
      %cond3A_181 = arith.constant 0 : i32
      %cond3A_182 = arith.cmpi ne, %convert_element_type3A_180, %cond3A_181 : i32
      scf.if %cond3A_182 {
        %add3A_183 = arith.constant 2 : i32
        %add3A_184 = arith.addi %mul3A_70, %add3A_183 : i32
        %dma_start3A_185 = arith.constant 0 : i32
        %dma_start3A_186 = tpu.memref_slice %arg6[%add3A_184, %dma_start3A_185] : memref<16x120xi32, #tpu.memory_space<vmem>> -> memref<1x120xi32, #tpu.memory_space<vmem>>
        %dma_start3A_187 = tpu.memref_squeeze %dma_start3A_186 : memref<1x120xi32, #tpu.memory_space<vmem>> -> memref<120xi32, #tpu.memory_space<vmem>>
        %dma_start3A_188 = arith.constant 0 : i32
        %dma_start3A_189 = arith.constant 0 : i32
        %dma_start3A_190 = tpu.memref_slice %arg2[%dma_start3A_188, %dma_start3A_189] : memref<10240x128xf32, #tpu.memory_space<hbm>> -> memref<10240x128xf32, #tpu.memory_space<hbm>>
        tpu.enqueue_indirect_dma source(%dma_start3A_190 : memref<10240x128xf32, #tpu.memory_space<hbm>>) target(%arg8 : memref<120x128xf32, #tpu.memory_space<vmem>>) offsets(%dma_start3A_187 : memref<120xi32, #tpu.memory_space<vmem>>) semaphore(%arg11 : memref<!tpu.dma_semaphore, #tpu.memory_space<semaphore_mem>>)
      } else {
      }
    }
    %scan3A_27 = arith.constant 28 : i32
    %dma_wait3A = arith.constant 13 : i32
    %dma_wait3A_28 = arith.constant 0 : i32
    %dma_wait3A_29 = tpu.memref_slice %arg6[%dma_wait3A, %dma_wait3A_28] : memref<16x120xi32, #tpu.memory_space<vmem>> -> memref<1x120xi32, #tpu.memory_space<vmem>>
    %dma_wait3A_30 = tpu.memref_squeeze %dma_wait3A_29 : memref<1x120xi32, #tpu.memory_space<vmem>> -> memref<120xi32, #tpu.memory_space<vmem>>
    %dma_wait3A_31 = arith.constant 0 : i32
    %dma_wait3A_32 = arith.constant 0 : i32
    %dma_wait3A_33 = tpu.memref_slice %arg5[%dma_wait3A_31, %dma_wait3A_32] : memref<10240x128xf32, #tpu.memory_space<vmem_shared>> -> memref<10240x128xf32, #tpu.memory_space<vmem_shared>>
    tpu.wait_indirect_dma semaphore(%arg15 : memref<!tpu.dma_semaphore, #tpu.memory_space<semaphore_mem>>) src(%arg9 : memref<120x128xf32, #tpu.memory_space<vmem>>) dst(%dma_wait3A_33 : memref<10240x128xf32, #tpu.memory_space<vmem_shared>>)
    %barrier3A_34 = arith.constant 0 : index
    tpu.barrier barrier_id(%barrier3A_34)
    %mul3A_35 = arith.constant 640 : i32
    %mul3A_36 = arith.muli %arg1, %mul3A_35 : i32
    %mul3A_37 = arith.constant 640 : i32
    %mul3A_38 = arith.muli %arg1, %mul3A_37 : i32
    "tpu.region"() ({
      %run_scoped3A = tpu.sem_alloc : memref<!tpu.dma_semaphore, #tpu.memory_space<semaphore_mem>>
      %dma_start3A_39 = arith.constant 0 : i32
      %dma_start3A_40 = tpu.memref_slice %arg4[%arg0, %mul3A_38, %dma_start3A_39] : memref<2x10240x128xf32, #tpu.memory_space<hbm>> -> memref<1x640x128xf32, #tpu.memory_space<hbm>>
      %dma_start3A_41 = tpu.memref_squeeze %dma_start3A_40 : memref<1x640x128xf32, #tpu.memory_space<hbm>> -> memref<640x128xf32, #tpu.memory_space<hbm>>
      %dma_start3A_42 = arith.constant 0 : i32
      %dma_start3A_43 = tpu.memref_slice %arg5[%mul3A_36, %dma_start3A_42] : memref<10240x128xf32, #tpu.memory_space<vmem_shared>> -> memref<640x128xf32, #tpu.memory_space<vmem_shared>>
      tpu.enqueue_dma source(%dma_start3A_43 : memref<640x128xf32, #tpu.memory_space<vmem_shared>>) target(%dma_start3A_41 : memref<640x128xf32, #tpu.memory_space<hbm>>) target_semaphore(%run_scoped3A : memref<!tpu.dma_semaphore, #tpu.memory_space<semaphore_mem>>)
      %dma_wait3A_44 = arith.constant 0 : i32
      %dma_wait3A_45 = tpu.memref_slice %arg4[%arg0, %mul3A_38, %dma_wait3A_44] : memref<2x10240x128xf32, #tpu.memory_space<hbm>> -> memref<1x640x128xf32, #tpu.memory_space<hbm>>
      %dma_wait3A_46 = tpu.memref_squeeze %dma_wait3A_45 : memref<1x640x128xf32, #tpu.memory_space<hbm>> -> memref<640x128xf32, #tpu.memory_space<hbm>>
      %dma_wait3A_47 = arith.constant 0 : i32
      %dma_wait3A_48 = tpu.memref_slice %arg5[%mul3A_36, %dma_wait3A_47] : memref<10240x128xf32, #tpu.memory_space<vmem_shared>> -> memref<640x128xf32, #tpu.memory_space<vmem_shared>>
      tpu.wait_dma2 semaphore(%run_scoped3A : memref<!tpu.dma_semaphore, #tpu.memory_space<semaphore_mem>>) src(%dma_wait3A_48 : memref<640x128xf32, #tpu.memory_space<vmem_shared>>) dst(%dma_wait3A_46 : memref<640x128xf32, #tpu.memory_space<hbm>>)
      tpu.yield
    }) : () -> ()
    return
  }
}

#map = affine_map<(d0, d1) -> (0, 0)>
module attributes {stable_mosaic.version = 14 : i64} {
  func.func @_deg_body(%arg0: i32, %arg1: i32, %arg2: memref<2560x128xi32, #tpu.memory_space<hbm>>, %arg3: memref<2x10240xf32, #tpu.memory_space<hbm>>, %arg4: memref<10240xf32, #tpu.memory_space<vmem_shared>>, %arg5: memref<16x128xi32, #tpu.memory_space<vmem>>, %arg6: memref<128xf32, #tpu.memory_space<vmem>>, %arg7: memref<128xf32, #tpu.memory_space<vmem>>, %arg8: memref<!tpu.dma_semaphore, #tpu.memory_space<semaphore_mem>>, %arg9: memref<!tpu.dma_semaphore, #tpu.memory_space<semaphore_mem>>, %arg10: memref<!tpu.dma_semaphore, #tpu.memory_space<semaphore_mem>>, %arg11: memref<!tpu.dma_semaphore, #tpu.memory_space<semaphore_mem>>, %arg12: memref<!tpu.dma_semaphore, #tpu.memory_space<semaphore_mem>>, %arg13: memref<!tpu.dma_semaphore, #tpu.memory_space<semaphore_mem>>, %arg14: memref<!tpu.dma_semaphore, #tpu.memory_space<semaphore_mem>>, %arg15: memref<!tpu.dma_semaphore, #tpu.memory_space<semaphore_mem>>, %arg16: memref<!tpu.dma_semaphore, #tpu.memory_space<semaphore_mem>>) attributes {dimension_semantics = [#tpu.dimension_semantics<core_parallel>, #tpu.dimension_semantics<subcore_parallel>], iteration_bounds = array<i64: 2, 16>, scalar_prefetch = 0 : i64, scratch_operands = 13 : i64, tpu.core_type = #tpu.core_type<sc_vector_subcore>, window_params = [{transform_indices = #map}, {transform_indices = #map}]} {
    %mul3A = arith.constant 16 : i32
    %mul3A_0 = arith.muli %arg0, %mul3A : i32
    %add3A = arith.addi %mul3A_0, %arg1 : i32
    %mul3A_1 = arith.constant 80 : i32
    %mul3A_2 = arith.muli %add3A, %mul3A_1 : i32
    %scan3A = arith.constant 0 : i32
    %scan3A_3 = arith.constant 8 : i32
    %scan3A_4 = arith.addi %scan3A, %scan3A_3 : i32
    %scan3A_5 = arith.constant 1 : i32
    scf.for %scan3A_69 = %scan3A to %scan3A_4 step %scan3A_5  : i32 {
      %broadcast_in_dim3A = arith.constant 1.000000e+00 : f32
      %broadcast_in_dim3A_70 = vector.broadcast %broadcast_in_dim3A : f32 to vector<16xf32>
      %mul3A_71 = arith.constant 16 : i32
      %mul3A_72 = arith.muli %scan3A_69, %mul3A_71 : i32
      %swap3A = arith.index_cast %mul3A_72 : i32 to index
      %swap3A_73 = tpu.vector_load %arg6[%swap3A] {strides = array<i32>} : memref<128xf32, #tpu.memory_space<vmem>>, vector<16xf32>,
      %swap3A_74 = vector.shape_cast %swap3A_73 : vector<16xf32> to vector<16xf32>
      %swap3A_75 = vector.shape_cast %broadcast_in_dim3A_70 : vector<16xf32> to vector<16xf32>
      tpu.vector_store %arg6[%swap3A], %swap3A_75 {strides = array<i32>} : memref<128xf32, #tpu.memory_space<vmem>>, vector<16xf32>,
      %broadcast_in_dim3A_76 = arith.constant 0.000000e+00 : f32
      %broadcast_in_dim3A_77 = vector.broadcast %broadcast_in_dim3A_76 : f32 to vector<16xf32>
      %mul3A_78 = arith.constant 16 : i32
      %mul3A_79 = arith.muli %scan3A_69, %mul3A_78 : i32
      %swap3A_80 = arith.index_cast %mul3A_79 : i32 to index
      %swap3A_81 = tpu.vector_load %arg7[%swap3A_80] {strides = array<i32>} : memref<128xf32, #tpu.memory_space<vmem>>, vector<16xf32>,
      %swap3A_82 = vector.shape_cast %swap3A_81 : vector<16xf32> to vector<16xf32>
      %swap3A_83 = vector.shape_cast %broadcast_in_dim3A_77 : vector<16xf32> to vector<16xf32>
      tpu.vector_store %arg7[%swap3A_80], %swap3A_83 {strides = array<i32>} : memref<128xf32, #tpu.memory_space<vmem>>, vector<16xf32>,
    }
    %scan3A_6 = arith.constant 8 : i32
    %scan3A_7 = arith.constant 0 : i32
    %scan3A_8 = arith.constant 5 : i32
    %scan3A_9 = arith.addi %scan3A_7, %scan3A_8 : i32
    %scan3A_10 = arith.constant 1 : i32
    scf.for %scan3A_69 = %scan3A_7 to %scan3A_9 step %scan3A_10  : i32 {
      %mul3A_70 = arith.constant 640 : i32
      %mul3A_71 = arith.muli %arg1, %mul3A_70 : i32
      %mul3A_72 = arith.constant 128 : i32
      %mul3A_73 = arith.muli %scan3A_69, %mul3A_72 : i32
      %add3A_74 = arith.addi %mul3A_71, %mul3A_73 : i32
      "tpu.region"() ({
        %run_scoped3A = tpu.sem_alloc : memref<!tpu.dma_semaphore, #tpu.memory_space<semaphore_mem>>
        %dma_start3A = tpu.memref_slice %arg4[%add3A_74] : memref<10240xf32, #tpu.memory_space<vmem_shared>> -> memref<128xf32, #tpu.memory_space<vmem_shared>>
        %dma_start3A_75 = tpu.memref_slice %arg4[%add3A_74] : memref<10240xf32, #tpu.memory_space<vmem_shared>> -> memref<128xf32, #tpu.memory_space<vmem_shared>>
        tpu.enqueue_dma source(%arg7 : memref<128xf32, #tpu.memory_space<vmem>>) target(%dma_start3A_75 : memref<128xf32, #tpu.memory_space<vmem_shared>>) target_semaphore(%run_scoped3A : memref<!tpu.dma_semaphore, #tpu.memory_space<semaphore_mem>>)
        %dma_wait3A_76 = tpu.memref_slice %arg4[%add3A_74] : memref<10240xf32, #tpu.memory_space<vmem_shared>> -> memref<128xf32, #tpu.memory_space<vmem_shared>>
        %dma_wait3A_77 = tpu.memref_slice %arg4[%add3A_74] : memref<10240xf32, #tpu.memory_space<vmem_shared>> -> memref<128xf32, #tpu.memory_space<vmem_shared>>
        tpu.wait_dma2 semaphore(%run_scoped3A : memref<!tpu.dma_semaphore, #tpu.memory_space<semaphore_mem>>) src(%arg7 : memref<128xf32, #tpu.memory_space<vmem>>) dst(%dma_wait3A_77 : memref<128xf32, #tpu.memory_space<vmem_shared>>)
        tpu.yield
      }) : () -> ()
    }
    %scan3A_11 = arith.constant 5 : i32
    %barrier3A = arith.constant 0 : index
    tpu.barrier barrier_id(%barrier3A)
    "tpu.region"() ({
      %run_scoped3A = tpu.sem_alloc : memref<!tpu.dma_semaphore, #tpu.memory_space<semaphore_mem>>
      %dma_start3A = arith.constant 0 : i32
      %dma_start3A_69 = arith.constant 0 : i32
      %dma_start3A_70 = tpu.memref_slice %arg5[%dma_start3A, %dma_start3A_69] : memref<16x128xi32, #tpu.memory_space<vmem>> -> memref<8x128xi32, #tpu.memory_space<vmem>>
      %dma_start3A_71 = arith.constant 0 : i32
      %dma_start3A_72 = tpu.memref_slice %arg2[%mul3A_2, %dma_start3A_71] : memref<2560x128xi32, #tpu.memory_space<hbm>> -> memref<8x128xi32, #tpu.memory_space<hbm>>
      %dma_start3A_73 = arith.constant 0 : i32
      %dma_start3A_74 = arith.constant 0 : i32
      %dma_start3A_75 = tpu.memref_slice %arg5[%dma_start3A_73, %dma_start3A_74] : memref<16x128xi32, #tpu.memory_space<vmem>> -> memref<8x128xi32, #tpu.memory_space<vmem>>
      %dma_start3A_76 = arith.constant 0 : i32
      %dma_start3A_77 = tpu.memref_slice %arg2[%mul3A_2, %dma_start3A_76] : memref<2560x128xi32, #tpu.memory_space<hbm>> -> memref<8x128xi32, #tpu.memory_space<hbm>>
      tpu.enqueue_dma source(%dma_start3A_77 : memref<8x128xi32, #tpu.memory_space<hbm>>) target(%dma_start3A_75 : memref<8x128xi32, #tpu.memory_space<vmem>>) target_semaphore(%run_scoped3A : memref<!tpu.dma_semaphore, #tpu.memory_space<semaphore_mem>>)
      %dma_wait3A_78 = arith.constant 0 : i32
      %dma_wait3A_79 = arith.constant 0 : i32
      %dma_wait3A_80 = tpu.memref_slice %arg5[%dma_wait3A_78, %dma_wait3A_79] : memref<16x128xi32, #tpu.memory_space<vmem>> -> memref<8x128xi32, #tpu.memory_space<vmem>>
      %dma_wait3A_81 = arith.constant 0 : i32
      %dma_wait3A_82 = tpu.memref_slice %arg2[%mul3A_2, %dma_wait3A_81] : memref<2560x128xi32, #tpu.memory_space<hbm>> -> memref<8x128xi32, #tpu.memory_space<hbm>>
      %dma_wait3A_83 = arith.constant 0 : i32
      %dma_wait3A_84 = arith.constant 0 : i32
      %dma_wait3A_85 = tpu.memref_slice %arg5[%dma_wait3A_83, %dma_wait3A_84] : memref<16x128xi32, #tpu.memory_space<vmem>> -> memref<8x128xi32, #tpu.memory_space<vmem>>
      %dma_wait3A_86 = arith.constant 0 : i32
      %dma_wait3A_87 = tpu.memref_slice %arg2[%mul3A_2, %dma_wait3A_86] : memref<2560x128xi32, #tpu.memory_space<hbm>> -> memref<8x128xi32, #tpu.memory_space<hbm>>
      tpu.wait_dma2 semaphore(%run_scoped3A : memref<!tpu.dma_semaphore, #tpu.memory_space<semaphore_mem>>) src(%dma_wait3A_87 : memref<8x128xi32, #tpu.memory_space<hbm>>) dst(%dma_wait3A_85 : memref<8x128xi32, #tpu.memory_space<vmem>>)
      tpu.yield
    }) : () -> ()
    %scan3A_12 = arith.constant 0 : i32
    %scan3A_13 = arith.constant 10 : i32
    %scan3A_14 = arith.addi %scan3A_12, %scan3A_13 : i32
    %scan3A_15 = arith.constant 1 : i32
    scf.for %scan3A_69 = %scan3A_12 to %scan3A_14 step %scan3A_15  : i32 {
      %jit3A = arith.constant 2 : i32
      %eq3A = arith.constant 0 : i32
      %eq3A_70 = arith.cmpi eq, %jit3A, %eq3A : i32
      %jit3A_71 = arith.constant 1 : i32
      %select_n3A = arith.select %eq3A_70, %jit3A_71, %jit3A : i32
      %rem3A = arith.remsi %scan3A_69, %select_n3A : i32
      %ne3A = arith.constant 0 : i32
      %ne3A_72 = arith.cmpi ne, %rem3A, %ne3A : i32
      %lt3A = arith.constant 0 : i32
      %lt3A_73 = arith.cmpi slt, %rem3A, %lt3A : i32
      %lt3A_74 = arith.constant 0 : i32
      %lt3A_75 = arith.cmpi slt, %select_n3A, %lt3A_74 : i32
      %ne3A_76 = arith.xori %lt3A_73, %lt3A_75 : i1
      %and3A = arith.andi %ne3A_76, %ne3A_72 : i1
      %add3A_77 = arith.addi %rem3A, %select_n3A : i32
      %select_n3A_78 = arith.select %and3A, %add3A_77, %rem3A : i32
      %mul3A_79 = arith.constant 8 : i32
      %mul3A_80 = arith.muli %select_n3A_78, %mul3A_79 : i32
      %add3A_81 = arith.constant 1 : i32
      %add3A_82 = arith.addi %scan3A_69, %add3A_81 : i32
      %jit3A_83 = arith.constant 2 : i32
      %eq3A_84 = arith.constant 0 : i32
      %eq3A_85 = arith.cmpi eq, %jit3A_83, %eq3A_84 : i32
      %jit3A_86 = arith.constant 1 : i32
      %select_n3A_87 = arith.select %eq3A_85, %jit3A_86, %jit3A_83 : i32
      %rem3A_88 = arith.remsi %add3A_82, %select_n3A_87 : i32
      %ne3A_89 = arith.constant 0 : i32
      %ne3A_90 = arith.cmpi ne, %rem3A_88, %ne3A_89 : i32
      %lt3A_91 = arith.constant 0 : i32
      %lt3A_92 = arith.cmpi slt, %rem3A_88, %lt3A_91 : i32
      %lt3A_93 = arith.constant 0 : i32
      %lt3A_94 = arith.cmpi slt, %select_n3A_87, %lt3A_93 : i32
      %ne3A_95 = arith.xori %lt3A_92, %lt3A_94 : i1
      %and3A_96 = arith.andi %ne3A_95, %ne3A_90 : i1
      %add3A_97 = arith.addi %rem3A_88, %select_n3A_87 : i32
      %select_n3A_98 = arith.select %and3A_96, %add3A_97, %rem3A_88 : i32
      %mul3A_99 = arith.constant 8 : i32
      %mul3A_100 = arith.muli %select_n3A_98, %mul3A_99 : i32
      %gt3A = arith.constant 0 : i32
      %gt3A_101 = arith.cmpi sgt, %scan3A_69, %gt3A : i32
      %convert_element_type3A = arith.extui %gt3A_101 : i1 to i32
      %cond3A = arith.constant 0 : i32
      %cond3A_102 = arith.cmpi ne, %convert_element_type3A, %cond3A : i32
      scf.if %cond3A_102 {
        %dma_wait3A_205 = arith.constant 0 : i32
        %dma_wait3A_206 = tpu.memref_slice %arg5[%mul3A_80, %dma_wait3A_205] : memref<16x128xi32, #tpu.memory_space<vmem>> -> memref<8x128xi32, #tpu.memory_space<vmem>>
        %dma_wait3A_207 = arith.constant 0 : i32
        %dma_wait3A_208 = tpu.memref_slice %arg2[%mul3A_2, %dma_wait3A_207] : memref<2560x128xi32, #tpu.memory_space<hbm>> -> memref<8x128xi32, #tpu.memory_space<hbm>>
        %dma_wait3A_209 = arith.constant 0 : i32
        %dma_wait3A_210 = tpu.memref_slice %arg5[%mul3A_80, %dma_wait3A_209] : memref<16x128xi32, #tpu.memory_space<vmem>> -> memref<8x128xi32, #tpu.memory_space<vmem>>
        %dma_wait3A_211 = arith.constant 0 : i32
        %dma_wait3A_212 = tpu.memref_slice %arg2[%mul3A_2, %dma_wait3A_211] : memref<2560x128xi32, #tpu.memory_space<hbm>> -> memref<8x128xi32, #tpu.memory_space<hbm>>
        tpu.wait_dma2 semaphore(%arg16 : memref<!tpu.dma_semaphore, #tpu.memory_space<semaphore_mem>>) src(%dma_wait3A_212 : memref<8x128xi32, #tpu.memory_space<hbm>>) dst(%dma_wait3A_210 : memref<8x128xi32, #tpu.memory_space<vmem>>)
      } else {
      }
      %gt3A_103 = arith.constant 0 : i32
      %gt3A_104 = arith.cmpi sgt, %scan3A_69, %gt3A_103 : i32
      %convert_element_type3A_105 = arith.extui %gt3A_104 : i1 to i32
      %cond3A_106 = arith.constant 0 : i32
      %cond3A_107 = arith.cmpi ne, %convert_element_type3A_105, %cond3A_106 : i32
      scf.if %cond3A_107 {
        %add3A_205 = arith.constant 0 : i32
        %add3A_206 = arith.addi %mul3A_100, %add3A_205 : i32
        %dma_wait3A_207 = arith.constant 0 : i32
        %dma_wait3A_208 = tpu.memref_slice %arg5[%add3A_206, %dma_wait3A_207] : memref<16x128xi32, #tpu.memory_space<vmem>> -> memref<1x128xi32, #tpu.memory_space<vmem>>
        %dma_wait3A_209 = tpu.memref_squeeze %dma_wait3A_208 : memref<1x128xi32, #tpu.memory_space<vmem>> -> memref<128xi32, #tpu.memory_space<vmem>>
        %dma_wait3A_210 = arith.constant 0 : i32
        %dma_wait3A_211 = tpu.memref_slice %arg4[%dma_wait3A_210] : memref<10240xf32, #tpu.memory_space<vmem_shared>> -> memref<10240xf32, #tpu.memory_space<vmem_shared>>
        tpu.wait_indirect_dma semaphore(%arg8 : memref<!tpu.dma_semaphore, #tpu.memory_space<semaphore_mem>>) src(%arg6 : memref<128xf32, #tpu.memory_space<vmem>>) dst(%dma_wait3A_211 : memref<10240xf32, #tpu.memory_space<vmem_shared>>)
      } else {
      }
      %add3A_108 = arith.constant 0 : i32
      %add3A_109 = arith.addi %mul3A_80, %add3A_108 : i32
      %dma_start3A = arith.constant 0 : i32
      %dma_start3A_110 = tpu.memref_slice %arg5[%add3A_109, %dma_start3A] : memref<16x128xi32, #tpu.memory_space<vmem>> -> memref<1x128xi32, #tpu.memory_space<vmem>>
      %dma_start3A_111 = tpu.memref_squeeze %dma_start3A_110 : memref<1x128xi32, #tpu.memory_space<vmem>> -> memref<128xi32, #tpu.memory_space<vmem>>
      %dma_start3A_112 = arith.constant 0 : i32
      %dma_start3A_113 = tpu.memref_slice %arg4[%dma_start3A_112] : memref<10240xf32, #tpu.memory_space<vmem_shared>> -> memref<10240xf32, #tpu.memory_space<vmem_shared>>
      tpu.enqueue_indirect_dma source(%arg6 : memref<128xf32, #tpu.memory_space<vmem>>) target(%dma_start3A_113 : memref<10240xf32, #tpu.memory_space<vmem_shared>>) offsets(%dma_start3A_111 : memref<128xi32, #tpu.memory_space<vmem>>) semaphore(%arg8 : memref<!tpu.dma_semaphore, #tpu.memory_space<semaphore_mem>>) {add = true}
      %gt3A_114 = arith.constant 0 : i32
      %gt3A_115 = arith.cmpi sgt, %scan3A_69, %gt3A_114 : i32
      %convert_element_type3A_116 = arith.extui %gt3A_115 : i1 to i32
      %cond3A_117 = arith.constant 0 : i32
      %cond3A_118 = arith.cmpi ne, %convert_element_type3A_116, %cond3A_117 : i32
      scf.if %cond3A_118 {
        %add3A_205 = arith.constant 1 : i32
        %add3A_206 = arith.addi %mul3A_100, %add3A_205 : i32
        %dma_wait3A_207 = arith.constant 0 : i32
        %dma_wait3A_208 = tpu.memref_slice %arg5[%add3A_206, %dma_wait3A_207] : memref<16x128xi32, #tpu.memory_space<vmem>> -> memref<1x128xi32, #tpu.memory_space<vmem>>
        %dma_wait3A_209 = tpu.memref_squeeze %dma_wait3A_208 : memref<1x128xi32, #tpu.memory_space<vmem>> -> memref<128xi32, #tpu.memory_space<vmem>>
        %dma_wait3A_210 = arith.constant 0 : i32
        %dma_wait3A_211 = tpu.memref_slice %arg4[%dma_wait3A_210] : memref<10240xf32, #tpu.memory_space<vmem_shared>> -> memref<10240xf32, #tpu.memory_space<vmem_shared>>
        tpu.wait_indirect_dma semaphore(%arg9 : memref<!tpu.dma_semaphore, #tpu.memory_space<semaphore_mem>>) src(%arg6 : memref<128xf32, #tpu.memory_space<vmem>>) dst(%dma_wait3A_211 : memref<10240xf32, #tpu.memory_space<vmem_shared>>)
      } else {
      }
      %add3A_119 = arith.constant 1 : i32
      %add3A_120 = arith.addi %mul3A_80, %add3A_119 : i32
      %dma_start3A_121 = arith.constant 0 : i32
      %dma_start3A_122 = tpu.memref_slice %arg5[%add3A_120, %dma_start3A_121] : memref<16x128xi32, #tpu.memory_space<vmem>> -> memref<1x128xi32, #tpu.memory_space<vmem>>
      %dma_start3A_123 = tpu.memref_squeeze %dma_start3A_122 : memref<1x128xi32, #tpu.memory_space<vmem>> -> memref<128xi32, #tpu.memory_space<vmem>>
      %dma_start3A_124 = arith.constant 0 : i32
      %dma_start3A_125 = tpu.memref_slice %arg4[%dma_start3A_124] : memref<10240xf32, #tpu.memory_space<vmem_shared>> -> memref<10240xf32, #tpu.memory_space<vmem_shared>>
      tpu.enqueue_indirect_dma source(%arg6 : memref<128xf32, #tpu.memory_space<vmem>>) target(%dma_start3A_125 : memref<10240xf32, #tpu.memory_space<vmem_shared>>) offsets(%dma_start3A_123 : memref<128xi32, #tpu.memory_space<vmem>>) semaphore(%arg9 : memref<!tpu.dma_semaphore, #tpu.memory_space<semaphore_mem>>) {add = true}
      %gt3A_126 = arith.constant 0 : i32
      %gt3A_127 = arith.cmpi sgt, %scan3A_69, %gt3A_126 : i32
      %convert_element_type3A_128 = arith.extui %gt3A_127 : i1 to i32
      %cond3A_129 = arith.constant 0 : i32
      %cond3A_130 = arith.cmpi ne, %convert_element_type3A_128, %cond3A_129 : i32
      scf.if %cond3A_130 {
        %add3A_205 = arith.constant 2 : i32
        %add3A_206 = arith.addi %mul3A_100, %add3A_205 : i32
        %dma_wait3A_207 = arith.constant 0 : i32
        %dma_wait3A_208 = tpu.memref_slice %arg5[%add3A_206, %dma_wait3A_207] : memref<16x128xi32, #tpu.memory_space<vmem>> -> memref<1x128xi32, #tpu.memory_space<vmem>>
        %dma_wait3A_209 = tpu.memref_squeeze %dma_wait3A_208 : memref<1x128xi32, #tpu.memory_space<vmem>> -> memref<128xi32, #tpu.memory_space<vmem>>
        %dma_wait3A_210 = arith.constant 0 : i32
        %dma_wait3A_211 = tpu.memref_slice %arg4[%dma_wait3A_210] : memref<10240xf32, #tpu.memory_space<vmem_shared>> -> memref<10240xf32, #tpu.memory_space<vmem_shared>>
        tpu.wait_indirect_dma semaphore(%arg10 : memref<!tpu.dma_semaphore, #tpu.memory_space<semaphore_mem>>) src(%arg6 : memref<128xf32, #tpu.memory_space<vmem>>) dst(%dma_wait3A_211 : memref<10240xf32, #tpu.memory_space<vmem_shared>>)
      } else {
      }
      %add3A_131 = arith.constant 2 : i32
      %add3A_132 = arith.addi %mul3A_80, %add3A_131 : i32
      %dma_start3A_133 = arith.constant 0 : i32
      %dma_start3A_134 = tpu.memref_slice %arg5[%add3A_132, %dma_start3A_133] : memref<16x128xi32, #tpu.memory_space<vmem>> -> memref<1x128xi32, #tpu.memory_space<vmem>>
      %dma_start3A_135 = tpu.memref_squeeze %dma_start3A_134 : memref<1x128xi32, #tpu.memory_space<vmem>> -> memref<128xi32, #tpu.memory_space<vmem>>
      %dma_start3A_136 = arith.constant 0 : i32
      %dma_start3A_137 = tpu.memref_slice %arg4[%dma_start3A_136] : memref<10240xf32, #tpu.memory_space<vmem_shared>> -> memref<10240xf32, #tpu.memory_space<vmem_shared>>
      tpu.enqueue_indirect_dma source(%arg6 : memref<128xf32, #tpu.memory_space<vmem>>) target(%dma_start3A_137 : memref<10240xf32, #tpu.memory_space<vmem_shared>>) offsets(%dma_start3A_135 : memref<128xi32, #tpu.memory_space<vmem>>) semaphore(%arg10 : memref<!tpu.dma_semaphore, #tpu.memory_space<semaphore_mem>>) {add = true}
      %gt3A_138 = arith.constant 0 : i32
      %gt3A_139 = arith.cmpi sgt, %scan3A_69, %gt3A_138 : i32
      %convert_element_type3A_140 = arith.extui %gt3A_139 : i1 to i32
      %cond3A_141 = arith.constant 0 : i32
      %cond3A_142 = arith.cmpi ne, %convert_element_type3A_140, %cond3A_141 : i32
      scf.if %cond3A_142 {
        %add3A_205 = arith.constant 3 : i32
        %add3A_206 = arith.addi %mul3A_100, %add3A_205 : i32
        %dma_wait3A_207 = arith.constant 0 : i32
        %dma_wait3A_208 = tpu.memref_slice %arg5[%add3A_206, %dma_wait3A_207] : memref<16x128xi32, #tpu.memory_space<vmem>> -> memref<1x128xi32, #tpu.memory_space<vmem>>
        %dma_wait3A_209 = tpu.memref_squeeze %dma_wait3A_208 : memref<1x128xi32, #tpu.memory_space<vmem>> -> memref<128xi32, #tpu.memory_space<vmem>>
        %dma_wait3A_210 = arith.constant 0 : i32
        %dma_wait3A_211 = tpu.memref_slice %arg4[%dma_wait3A_210] : memref<10240xf32, #tpu.memory_space<vmem_shared>> -> memref<10240xf32, #tpu.memory_space<vmem_shared>>
        tpu.wait_indirect_dma semaphore(%arg11 : memref<!tpu.dma_semaphore, #tpu.memory_space<semaphore_mem>>) src(%arg6 : memref<128xf32, #tpu.memory_space<vmem>>) dst(%dma_wait3A_211 : memref<10240xf32, #tpu.memory_space<vmem_shared>>)
      } else {
      }
      %add3A_143 = arith.constant 3 : i32
      %add3A_144 = arith.addi %mul3A_80, %add3A_143 : i32
      %dma_start3A_145 = arith.constant 0 : i32
      %dma_start3A_146 = tpu.memref_slice %arg5[%add3A_144, %dma_start3A_145] : memref<16x128xi32, #tpu.memory_space<vmem>> -> memref<1x128xi32, #tpu.memory_space<vmem>>
      %dma_start3A_147 = tpu.memref_squeeze %dma_start3A_146 : memref<1x128xi32, #tpu.memory_space<vmem>> -> memref<128xi32, #tpu.memory_space<vmem>>
      %dma_start3A_148 = arith.constant 0 : i32
      %dma_start3A_149 = tpu.memref_slice %arg4[%dma_start3A_148] : memref<10240xf32, #tpu.memory_space<vmem_shared>> -> memref<10240xf32, #tpu.memory_space<vmem_shared>>
      tpu.enqueue_indirect_dma source(%arg6 : memref<128xf32, #tpu.memory_space<vmem>>) target(%dma_start3A_149 : memref<10240xf32, #tpu.memory_space<vmem_shared>>) offsets(%dma_start3A_147 : memref<128xi32, #tpu.memory_space<vmem>>) semaphore(%arg11 : memref<!tpu.dma_semaphore, #tpu.memory_space<semaphore_mem>>) {add = true}
      %gt3A_150 = arith.constant 0 : i32
      %gt3A_151 = arith.cmpi sgt, %scan3A_69, %gt3A_150 : i32
      %convert_element_type3A_152 = arith.extui %gt3A_151 : i1 to i32
      %cond3A_153 = arith.constant 0 : i32
      %cond3A_154 = arith.cmpi ne, %convert_element_type3A_152, %cond3A_153 : i32
      scf.if %cond3A_154 {
        %add3A_205 = arith.constant 4 : i32
        %add3A_206 = arith.addi %mul3A_100, %add3A_205 : i32
        %dma_wait3A_207 = arith.constant 0 : i32
        %dma_wait3A_208 = tpu.memref_slice %arg5[%add3A_206, %dma_wait3A_207] : memref<16x128xi32, #tpu.memory_space<vmem>> -> memref<1x128xi32, #tpu.memory_space<vmem>>
        %dma_wait3A_209 = tpu.memref_squeeze %dma_wait3A_208 : memref<1x128xi32, #tpu.memory_space<vmem>> -> memref<128xi32, #tpu.memory_space<vmem>>
        %dma_wait3A_210 = arith.constant 0 : i32
        %dma_wait3A_211 = tpu.memref_slice %arg4[%dma_wait3A_210] : memref<10240xf32, #tpu.memory_space<vmem_shared>> -> memref<10240xf32, #tpu.memory_space<vmem_shared>>
        tpu.wait_indirect_dma semaphore(%arg12 : memref<!tpu.dma_semaphore, #tpu.memory_space<semaphore_mem>>) src(%arg6 : memref<128xf32, #tpu.memory_space<vmem>>) dst(%dma_wait3A_211 : memref<10240xf32, #tpu.memory_space<vmem_shared>>)
      } else {
      }
      %add3A_155 = arith.constant 4 : i32
      %add3A_156 = arith.addi %mul3A_80, %add3A_155 : i32
      %dma_start3A_157 = arith.constant 0 : i32
      %dma_start3A_158 = tpu.memref_slice %arg5[%add3A_156, %dma_start3A_157] : memref<16x128xi32, #tpu.memory_space<vmem>> -> memref<1x128xi32, #tpu.memory_space<vmem>>
      %dma_start3A_159 = tpu.memref_squeeze %dma_start3A_158 : memref<1x128xi32, #tpu.memory_space<vmem>> -> memref<128xi32, #tpu.memory_space<vmem>>
      %dma_start3A_160 = arith.constant 0 : i32
      %dma_start3A_161 = tpu.memref_slice %arg4[%dma_start3A_160] : memref<10240xf32, #tpu.memory_space<vmem_shared>> -> memref<10240xf32, #tpu.memory_space<vmem_shared>>
      tpu.enqueue_indirect_dma source(%arg6 : memref<128xf32, #tpu.memory_space<vmem>>) target(%dma_start3A_161 : memref<10240xf32, #tpu.memory_space<vmem_shared>>) offsets(%dma_start3A_159 : memref<128xi32, #tpu.memory_space<vmem>>) semaphore(%arg12 : memref<!tpu.dma_semaphore, #tpu.memory_space<semaphore_mem>>) {add = true}
      %gt3A_162 = arith.constant 0 : i32
      %gt3A_163 = arith.cmpi sgt, %scan3A_69, %gt3A_162 : i32
      %convert_element_type3A_164 = arith.extui %gt3A_163 : i1 to i32
      %cond3A_165 = arith.constant 0 : i32
      %cond3A_166 = arith.cmpi ne, %convert_element_type3A_164, %cond3A_165 : i32
      scf.if %cond3A_166 {
        %add3A_205 = arith.constant 5 : i32
        %add3A_206 = arith.addi %mul3A_100, %add3A_205 : i32
        %dma_wait3A_207 = arith.constant 0 : i32
        %dma_wait3A_208 = tpu.memref_slice %arg5[%add3A_206, %dma_wait3A_207] : memref<16x128xi32, #tpu.memory_space<vmem>> -> memref<1x128xi32, #tpu.memory_space<vmem>>
        %dma_wait3A_209 = tpu.memref_squeeze %dma_wait3A_208 : memref<1x128xi32, #tpu.memory_space<vmem>> -> memref<128xi32, #tpu.memory_space<vmem>>
        %dma_wait3A_210 = arith.constant 0 : i32
        %dma_wait3A_211 = tpu.memref_slice %arg4[%dma_wait3A_210] : memref<10240xf32, #tpu.memory_space<vmem_shared>> -> memref<10240xf32, #tpu.memory_space<vmem_shared>>
        tpu.wait_indirect_dma semaphore(%arg13 : memref<!tpu.dma_semaphore, #tpu.memory_space<semaphore_mem>>) src(%arg6 : memref<128xf32, #tpu.memory_space<vmem>>) dst(%dma_wait3A_211 : memref<10240xf32, #tpu.memory_space<vmem_shared>>)
      } else {
      }
      %add3A_167 = arith.constant 5 : i32
      %add3A_168 = arith.addi %mul3A_80, %add3A_167 : i32
      %dma_start3A_169 = arith.constant 0 : i32
      %dma_start3A_170 = tpu.memref_slice %arg5[%add3A_168, %dma_start3A_169] : memref<16x128xi32, #tpu.memory_space<vmem>> -> memref<1x128xi32, #tpu.memory_space<vmem>>
      %dma_start3A_171 = tpu.memref_squeeze %dma_start3A_170 : memref<1x128xi32, #tpu.memory_space<vmem>> -> memref<128xi32, #tpu.memory_space<vmem>>
      %dma_start3A_172 = arith.constant 0 : i32
      %dma_start3A_173 = tpu.memref_slice %arg4[%dma_start3A_172] : memref<10240xf32, #tpu.memory_space<vmem_shared>> -> memref<10240xf32, #tpu.memory_space<vmem_shared>>
      tpu.enqueue_indirect_dma source(%arg6 : memref<128xf32, #tpu.memory_space<vmem>>) target(%dma_start3A_173 : memref<10240xf32, #tpu.memory_space<vmem_shared>>) offsets(%dma_start3A_171 : memref<128xi32, #tpu.memory_space<vmem>>) semaphore(%arg13 : memref<!tpu.dma_semaphore, #tpu.memory_space<semaphore_mem>>) {add = true}
      %gt3A_174 = arith.constant 0 : i32
      %gt3A_175 = arith.cmpi sgt, %scan3A_69, %gt3A_174 : i32
      %convert_element_type3A_176 = arith.extui %gt3A_175 : i1 to i32
      %cond3A_177 = arith.constant 0 : i32
      %cond3A_178 = arith.cmpi ne, %convert_element_type3A_176, %cond3A_177 : i32
      scf.if %cond3A_178 {
        %add3A_205 = arith.constant 6 : i32
        %add3A_206 = arith.addi %mul3A_100, %add3A_205 : i32
        %dma_wait3A_207 = arith.constant 0 : i32
        %dma_wait3A_208 = tpu.memref_slice %arg5[%add3A_206, %dma_wait3A_207] : memref<16x128xi32, #tpu.memory_space<vmem>> -> memref<1x128xi32, #tpu.memory_space<vmem>>
        %dma_wait3A_209 = tpu.memref_squeeze %dma_wait3A_208 : memref<1x128xi32, #tpu.memory_space<vmem>> -> memref<128xi32, #tpu.memory_space<vmem>>
        %dma_wait3A_210 = arith.constant 0 : i32
        %dma_wait3A_211 = tpu.memref_slice %arg4[%dma_wait3A_210] : memref<10240xf32, #tpu.memory_space<vmem_shared>> -> memref<10240xf32, #tpu.memory_space<vmem_shared>>
        tpu.wait_indirect_dma semaphore(%arg14 : memref<!tpu.dma_semaphore, #tpu.memory_space<semaphore_mem>>) src(%arg6 : memref<128xf32, #tpu.memory_space<vmem>>) dst(%dma_wait3A_211 : memref<10240xf32, #tpu.memory_space<vmem_shared>>)
      } else {
      }
      %add3A_179 = arith.constant 6 : i32
      %add3A_180 = arith.addi %mul3A_80, %add3A_179 : i32
      %dma_start3A_181 = arith.constant 0 : i32
      %dma_start3A_182 = tpu.memref_slice %arg5[%add3A_180, %dma_start3A_181] : memref<16x128xi32, #tpu.memory_space<vmem>> -> memref<1x128xi32, #tpu.memory_space<vmem>>
      %dma_start3A_183 = tpu.memref_squeeze %dma_start3A_182 : memref<1x128xi32, #tpu.memory_space<vmem>> -> memref<128xi32, #tpu.memory_space<vmem>>
      %dma_start3A_184 = arith.constant 0 : i32
      %dma_start3A_185 = tpu.memref_slice %arg4[%dma_start3A_184] : memref<10240xf32, #tpu.memory_space<vmem_shared>> -> memref<10240xf32, #tpu.memory_space<vmem_shared>>
      tpu.enqueue_indirect_dma source(%arg6 : memref<128xf32, #tpu.memory_space<vmem>>) target(%dma_start3A_185 : memref<10240xf32, #tpu.memory_space<vmem_shared>>) offsets(%dma_start3A_183 : memref<128xi32, #tpu.memory_space<vmem>>) semaphore(%arg14 : memref<!tpu.dma_semaphore, #tpu.memory_space<semaphore_mem>>) {add = true}
      %gt3A_186 = arith.constant 0 : i32
      %gt3A_187 = arith.cmpi sgt, %scan3A_69, %gt3A_186 : i32
      %convert_element_type3A_188 = arith.extui %gt3A_187 : i1 to i32
      %cond3A_189 = arith.constant 0 : i32
      %cond3A_190 = arith.cmpi ne, %convert_element_type3A_188, %cond3A_189 : i32
      scf.if %cond3A_190 {
        %add3A_205 = arith.constant 7 : i32
        %add3A_206 = arith.addi %mul3A_100, %add3A_205 : i32
        %dma_wait3A_207 = arith.constant 0 : i32
        %dma_wait3A_208 = tpu.memref_slice %arg5[%add3A_206, %dma_wait3A_207] : memref<16x128xi32, #tpu.memory_space<vmem>> -> memref<1x128xi32, #tpu.memory_space<vmem>>
        %dma_wait3A_209 = tpu.memref_squeeze %dma_wait3A_208 : memref<1x128xi32, #tpu.memory_space<vmem>> -> memref<128xi32, #tpu.memory_space<vmem>>
        %dma_wait3A_210 = arith.constant 0 : i32
        %dma_wait3A_211 = tpu.memref_slice %arg4[%dma_wait3A_210] : memref<10240xf32, #tpu.memory_space<vmem_shared>> -> memref<10240xf32, #tpu.memory_space<vmem_shared>>
        tpu.wait_indirect_dma semaphore(%arg15 : memref<!tpu.dma_semaphore, #tpu.memory_space<semaphore_mem>>) src(%arg6 : memref<128xf32, #tpu.memory_space<vmem>>) dst(%dma_wait3A_211 : memref<10240xf32, #tpu.memory_space<vmem_shared>>)
      } else {
      }
      %add3A_191 = arith.constant 7 : i32
      %add3A_192 = arith.addi %mul3A_80, %add3A_191 : i32
      %dma_start3A_193 = arith.constant 0 : i32
      %dma_start3A_194 = tpu.memref_slice %arg5[%add3A_192, %dma_start3A_193] : memref<16x128xi32, #tpu.memory_space<vmem>> -> memref<1x128xi32, #tpu.memory_space<vmem>>
      %dma_start3A_195 = tpu.memref_squeeze %dma_start3A_194 : memref<1x128xi32, #tpu.memory_space<vmem>> -> memref<128xi32, #tpu.memory_space<vmem>>
      %dma_start3A_196 = arith.constant 0 : i32
      %dma_start3A_197 = tpu.memref_slice %arg4[%dma_start3A_196] : memref<10240xf32, #tpu.memory_space<vmem_shared>> -> memref<10240xf32, #tpu.memory_space<vmem_shared>>
      tpu.enqueue_indirect_dma source(%arg6 : memref<128xf32, #tpu.memory_space<vmem>>) target(%dma_start3A_197 : memref<10240xf32, #tpu.memory_space<vmem_shared>>) offsets(%dma_start3A_195 : memref<128xi32, #tpu.memory_space<vmem>>) semaphore(%arg15 : memref<!tpu.dma_semaphore, #tpu.memory_space<semaphore_mem>>) {add = true}
      %add3A_198 = arith.constant 1 : i32
      %add3A_199 = arith.addi %scan3A_69, %add3A_198 : i32
      %lt3A_200 = arith.constant 10 : i32
      %lt3A_201 = arith.cmpi slt, %add3A_199, %lt3A_200 : i32
      %convert_element_type3A_202 = arith.extui %lt3A_201 : i1 to i32
      %cond3A_203 = arith.constant 0 : i32
      %cond3A_204 = arith.cmpi ne, %convert_element_type3A_202, %cond3A_203 : i32
      scf.if %cond3A_204 {
        %add3A_205 = arith.constant 1 : i32
        %add3A_206 = arith.addi %scan3A_69, %add3A_205 : i32
        %mul3A_207 = arith.constant 8 : i32
        %mul3A_208 = arith.muli %mul3A_207, %add3A_206 : i32
        %add3A_209 = arith.addi %mul3A_2, %mul3A_208 : i32
        %dma_start3A_210 = arith.constant 0 : i32
        %dma_start3A_211 = tpu.memref_slice %arg5[%mul3A_100, %dma_start3A_210] : memref<16x128xi32, #tpu.memory_space<vmem>> -> memref<8x128xi32, #tpu.memory_space<vmem>>
        %dma_start3A_212 = arith.constant 0 : i32
        %dma_start3A_213 = tpu.memref_slice %arg2[%add3A_209, %dma_start3A_212] : memref<2560x128xi32, #tpu.memory_space<hbm>> -> memref<8x128xi32, #tpu.memory_space<hbm>>
        %dma_start3A_214 = arith.constant 0 : i32
        %dma_start3A_215 = tpu.memref_slice %arg5[%mul3A_100, %dma_start3A_214] : memref<16x128xi32, #tpu.memory_space<vmem>> -> memref<8x128xi32, #tpu.memory_space<vmem>>
        %dma_start3A_216 = arith.constant 0 : i32
        %dma_start3A_217 = tpu.memref_slice %arg2[%add3A_209, %dma_start3A_216] : memref<2560x128xi32, #tpu.memory_space<hbm>> -> memref<8x128xi32, #tpu.memory_space<hbm>>
        tpu.enqueue_dma source(%dma_start3A_217 : memref<8x128xi32, #tpu.memory_space<hbm>>) target(%dma_start3A_215 : memref<8x128xi32, #tpu.memory_space<vmem>>) target_semaphore(%arg16 : memref<!tpu.dma_semaphore, #tpu.memory_space<semaphore_mem>>)
      } else {
      }
    }
    %scan3A_16 = arith.constant 10 : i32
    %dma_wait3A = arith.constant 8 : i32
    %dma_wait3A_17 = arith.constant 0 : i32
    %dma_wait3A_18 = tpu.memref_slice %arg5[%dma_wait3A, %dma_wait3A_17] : memref<16x128xi32, #tpu.memory_space<vmem>> -> memref<1x128xi32, #tpu.memory_space<vmem>>
    %dma_wait3A_19 = tpu.memref_squeeze %dma_wait3A_18 : memref<1x128xi32, #tpu.memory_space<vmem>> -> memref<128xi32, #tpu.memory_space<vmem>>
    %dma_wait3A_20 = arith.constant 0 : i32
    %dma_wait3A_21 = tpu.memref_slice %arg4[%dma_wait3A_20] : memref<10240xf32, #tpu.memory_space<vmem_shared>> -> memref<10240xf32, #tpu.memory_space<vmem_shared>>
    tpu.wait_indirect_dma semaphore(%arg8 : memref<!tpu.dma_semaphore, #tpu.memory_space<semaphore_mem>>) src(%arg6 : memref<128xf32, #tpu.memory_space<vmem>>) dst(%dma_wait3A_21 : memref<10240xf32, #tpu.memory_space<vmem_shared>>)
    %dma_wait3A_22 = arith.constant 9 : i32
    %dma_wait3A_23 = arith.constant 0 : i32
    %dma_wait3A_24 = tpu.memref_slice %arg5[%dma_wait3A_22, %dma_wait3A_23] : memref<16x128xi32, #tpu.memory_space<vmem>> -> memref<1x128xi32, #tpu.memory_space<vmem>>
    %dma_wait3A_25 = tpu.memref_squeeze %dma_wait3A_24 : memref<1x128xi32, #tpu.memory_space<vmem>> -> memref<128xi32, #tpu.memory_space<vmem>>
    %dma_wait3A_26 = arith.constant 0 : i32
    %dma_wait3A_27 = tpu.memref_slice %arg4[%dma_wait3A_26] : memref<10240xf32, #tpu.memory_space<vmem_shared>> -> memref<10240xf32, #tpu.memory_space<vmem_shared>>
    tpu.wait_indirect_dma semaphore(%arg9 : memref<!tpu.dma_semaphore, #tpu.memory_space<semaphore_mem>>) src(%arg6 : memref<128xf32, #tpu.memory_space<vmem>>) dst(%dma_wait3A_27 : memref<10240xf32, #tpu.memory_space<vmem_shared>>)
    %dma_wait3A_28 = arith.constant 10 : i32
    %dma_wait3A_29 = arith.constant 0 : i32
    %dma_wait3A_30 = tpu.memref_slice %arg5[%dma_wait3A_28, %dma_wait3A_29] : memref<16x128xi32, #tpu.memory_space<vmem>> -> memref<1x128xi32, #tpu.memory_space<vmem>>
    %dma_wait3A_31 = tpu.memref_squeeze %dma_wait3A_30 : memref<1x128xi32, #tpu.memory_space<vmem>> -> memref<128xi32, #tpu.memory_space<vmem>>
    %dma_wait3A_32 = arith.constant 0 : i32
    %dma_wait3A_33 = tpu.memref_slice %arg4[%dma_wait3A_32] : memref<10240xf32, #tpu.memory_space<vmem_shared>> -> memref<10240xf32, #tpu.memory_space<vmem_shared>>
    tpu.wait_indirect_dma semaphore(%arg10 : memref<!tpu.dma_semaphore, #tpu.memory_space<semaphore_mem>>) src(%arg6 : memref<128xf32, #tpu.memory_space<vmem>>) dst(%dma_wait3A_33 : memref<10240xf32, #tpu.memory_space<vmem_shared>>)
    %dma_wait3A_34 = arith.constant 11 : i32
    %dma_wait3A_35 = arith.constant 0 : i32
    %dma_wait3A_36 = tpu.memref_slice %arg5[%dma_wait3A_34, %dma_wait3A_35] : memref<16x128xi32, #tpu.memory_space<vmem>> -> memref<1x128xi32, #tpu.memory_space<vmem>>
    %dma_wait3A_37 = tpu.memref_squeeze %dma_wait3A_36 : memref<1x128xi32, #tpu.memory_space<vmem>> -> memref<128xi32, #tpu.memory_space<vmem>>
    %dma_wait3A_38 = arith.constant 0 : i32
    %dma_wait3A_39 = tpu.memref_slice %arg4[%dma_wait3A_38] : memref<10240xf32, #tpu.memory_space<vmem_shared>> -> memref<10240xf32, #tpu.memory_space<vmem_shared>>
    tpu.wait_indirect_dma semaphore(%arg11 : memref<!tpu.dma_semaphore, #tpu.memory_space<semaphore_mem>>) src(%arg6 : memref<128xf32, #tpu.memory_space<vmem>>) dst(%dma_wait3A_39 : memref<10240xf32, #tpu.memory_space<vmem_shared>>)
    %dma_wait3A_40 = arith.constant 12 : i32
    %dma_wait3A_41 = arith.constant 0 : i32
    %dma_wait3A_42 = tpu.memref_slice %arg5[%dma_wait3A_40, %dma_wait3A_41] : memref<16x128xi32, #tpu.memory_space<vmem>> -> memref<1x128xi32, #tpu.memory_space<vmem>>
    %dma_wait3A_43 = tpu.memref_squeeze %dma_wait3A_42 : memref<1x128xi32, #tpu.memory_space<vmem>> -> memref<128xi32, #tpu.memory_space<vmem>>
    %dma_wait3A_44 = arith.constant 0 : i32
    %dma_wait3A_45 = tpu.memref_slice %arg4[%dma_wait3A_44] : memref<10240xf32, #tpu.memory_space<vmem_shared>> -> memref<10240xf32, #tpu.memory_space<vmem_shared>>
    tpu.wait_indirect_dma semaphore(%arg12 : memref<!tpu.dma_semaphore, #tpu.memory_space<semaphore_mem>>) src(%arg6 : memref<128xf32, #tpu.memory_space<vmem>>) dst(%dma_wait3A_45 : memref<10240xf32, #tpu.memory_space<vmem_shared>>)
    %dma_wait3A_46 = arith.constant 13 : i32
    %dma_wait3A_47 = arith.constant 0 : i32
    %dma_wait3A_48 = tpu.memref_slice %arg5[%dma_wait3A_46, %dma_wait3A_47] : memref<16x128xi32, #tpu.memory_space<vmem>> -> memref<1x128xi32, #tpu.memory_space<vmem>>
    %dma_wait3A_49 = tpu.memref_squeeze %dma_wait3A_48 : memref<1x128xi32, #tpu.memory_space<vmem>> -> memref<128xi32, #tpu.memory_space<vmem>>
    %dma_wait3A_50 = arith.constant 0 : i32
    %dma_wait3A_51 = tpu.memref_slice %arg4[%dma_wait3A_50] : memref<10240xf32, #tpu.memory_space<vmem_shared>> -> memref<10240xf32, #tpu.memory_space<vmem_shared>>
    tpu.wait_indirect_dma semaphore(%arg13 : memref<!tpu.dma_semaphore, #tpu.memory_space<semaphore_mem>>) src(%arg6 : memref<128xf32, #tpu.memory_space<vmem>>) dst(%dma_wait3A_51 : memref<10240xf32, #tpu.memory_space<vmem_shared>>)
    %dma_wait3A_52 = arith.constant 14 : i32
    %dma_wait3A_53 = arith.constant 0 : i32
    %dma_wait3A_54 = tpu.memref_slice %arg5[%dma_wait3A_52, %dma_wait3A_53] : memref<16x128xi32, #tpu.memory_space<vmem>> -> memref<1x128xi32, #tpu.memory_space<vmem>>
    %dma_wait3A_55 = tpu.memref_squeeze %dma_wait3A_54 : memref<1x128xi32, #tpu.memory_space<vmem>> -> memref<128xi32, #tpu.memory_space<vmem>>
    %dma_wait3A_56 = arith.constant 0 : i32
    %dma_wait3A_57 = tpu.memref_slice %arg4[%dma_wait3A_56] : memref<10240xf32, #tpu.memory_space<vmem_shared>> -> memref<10240xf32, #tpu.memory_space<vmem_shared>>
    tpu.wait_indirect_dma semaphore(%arg14 : memref<!tpu.dma_semaphore, #tpu.memory_space<semaphore_mem>>) src(%arg6 : memref<128xf32, #tpu.memory_space<vmem>>) dst(%dma_wait3A_57 : memref<10240xf32, #tpu.memory_space<vmem_shared>>)
    %dma_wait3A_58 = arith.constant 15 : i32
    %dma_wait3A_59 = arith.constant 0 : i32
    %dma_wait3A_60 = tpu.memref_slice %arg5[%dma_wait3A_58, %dma_wait3A_59] : memref<16x128xi32, #tpu.memory_space<vmem>> -> memref<1x128xi32, #tpu.memory_space<vmem>>
    %dma_wait3A_61 = tpu.memref_squeeze %dma_wait3A_60 : memref<1x128xi32, #tpu.memory_space<vmem>> -> memref<128xi32, #tpu.memory_space<vmem>>
    %dma_wait3A_62 = arith.constant 0 : i32
    %dma_wait3A_63 = tpu.memref_slice %arg4[%dma_wait3A_62] : memref<10240xf32, #tpu.memory_space<vmem_shared>> -> memref<10240xf32, #tpu.memory_space<vmem_shared>>
    tpu.wait_indirect_dma semaphore(%arg15 : memref<!tpu.dma_semaphore, #tpu.memory_space<semaphore_mem>>) src(%arg6 : memref<128xf32, #tpu.memory_space<vmem>>) dst(%dma_wait3A_63 : memref<10240xf32, #tpu.memory_space<vmem_shared>>)
    %barrier3A_64 = arith.constant 0 : index
    tpu.barrier barrier_id(%barrier3A_64)
    %mul3A_65 = arith.constant 640 : i32
    %mul3A_66 = arith.muli %arg1, %mul3A_65 : i32
    %mul3A_67 = arith.constant 640 : i32
    %mul3A_68 = arith.muli %arg1, %mul3A_67 : i32
    "tpu.region"() ({
      %run_scoped3A = tpu.sem_alloc : memref<!tpu.dma_semaphore, #tpu.memory_space<semaphore_mem>>
      %dma_start3A = tpu.memref_slice %arg3[%arg0, %mul3A_68] : memref<2x10240xf32, #tpu.memory_space<hbm>> -> memref<1x640xf32, #tpu.memory_space<hbm>>
      %dma_start3A_69 = tpu.memref_squeeze %dma_start3A : memref<1x640xf32, #tpu.memory_space<hbm>> -> memref<640xf32, #tpu.memory_space<hbm>>
      %dma_start3A_70 = tpu.memref_slice %arg4[%mul3A_66] : memref<10240xf32, #tpu.memory_space<vmem_shared>> -> memref<640xf32, #tpu.memory_space<vmem_shared>>
      tpu.enqueue_dma source(%dma_start3A_70 : memref<640xf32, #tpu.memory_space<vmem_shared>>) target(%dma_start3A_69 : memref<640xf32, #tpu.memory_space<hbm>>) target_semaphore(%run_scoped3A : memref<!tpu.dma_semaphore, #tpu.memory_space<semaphore_mem>>)
      %dma_wait3A_71 = tpu.memref_slice %arg3[%arg0, %mul3A_68] : memref<2x10240xf32, #tpu.memory_space<hbm>> -> memref<1x640xf32, #tpu.memory_space<hbm>>
      %dma_wait3A_72 = tpu.memref_squeeze %dma_wait3A_71 : memref<1x640xf32, #tpu.memory_space<hbm>> -> memref<640xf32, #tpu.memory_space<hbm>>
      %dma_wait3A_73 = tpu.memref_slice %arg4[%mul3A_66] : memref<10240xf32, #tpu.memory_space<vmem_shared>> -> memref<640xf32, #tpu.memory_space<vmem_shared>>
      tpu.wait_dma2 semaphore(%run_scoped3A : memref<!tpu.dma_semaphore, #tpu.memory_space<semaphore_mem>>) src(%dma_wait3A_73 : memref<640xf32, #tpu.memory_space<vmem_shared>>) dst(%dma_wait3A_72 : memref<640xf32, #tpu.memory_space<hbm>>)
      tpu.yield
    }) : () -> ()
    return
  }
}

#map = affine_map<(d0, d1) -> (0, 0)>
#map1 = affine_map<(d0, d1) -> (0, 0, 0)>
module attributes {stable_mosaic.version = 14 : i64} {
  func.func @_gcn_body(%arg0: i32, %arg1: i32, %arg2: memref<10240x128xf32, #tpu.memory_space<hbm>>, %arg3: memref<7168x120xi32, #tpu.memory_space<hbm>>, %arg4: memref<2x10240x128xf32, #tpu.memory_space<hbm>>, %arg5: memref<10240x128xf32, #tpu.memory_space<vmem_shared>>, %arg6: memref<16x120xi32, #tpu.memory_space<vmem>>, %arg7: memref<120x128xf32, #tpu.memory_space<vmem>>, %arg8: memref<120x128xf32, #tpu.memory_space<vmem>>, %arg9: memref<120x128xf32, #tpu.memory_space<vmem>>, %arg10: memref<!tpu.dma_semaphore, #tpu.memory_space<semaphore_mem>>, %arg11: memref<!tpu.dma_semaphore, #tpu.memory_space<semaphore_mem>>, %arg12: memref<!tpu.dma_semaphore, #tpu.memory_space<semaphore_mem>>, %arg13: memref<!tpu.dma_semaphore, #tpu.memory_space<semaphore_mem>>, %arg14: memref<!tpu.dma_semaphore, #tpu.memory_space<semaphore_mem>>, %arg15: memref<!tpu.dma_semaphore, #tpu.memory_space<semaphore_mem>>, %arg16: memref<!tpu.dma_semaphore, #tpu.memory_space<semaphore_mem>>) attributes {dimension_semantics = [#tpu.dimension_semantics<core_parallel>, #tpu.dimension_semantics<subcore_parallel>], iteration_bounds = array<i64: 2, 16>, scalar_prefetch = 0 : i64, scratch_operands = 12 : i64, tpu.core_type = #tpu.core_type<sc_vector_subcore>, window_params = [{transform_indices = #map}, {transform_indices = #map}, {transform_indices = #map1}]} {
    %mul3A = arith.constant 16 : i32
    %mul3A_0 = arith.muli %arg0, %mul3A : i32
    %add3A = arith.addi %mul3A_0, %arg1 : i32
    %mul3A_1 = arith.constant 84 : i32
    %mul3A_2 = arith.muli %add3A, %mul3A_1 : i32
    %mul3A_3 = arith.constant 640 : i32
    %mul3A_4 = arith.muli %arg1, %mul3A_3 : i32
    %mul3A_5 = arith.constant 640 : i32
    %mul3A_6 = arith.muli %arg1, %mul3A_5 : i32
    "tpu.region"() ({
      %run_scoped3A = tpu.sem_alloc : memref<!tpu.dma_semaphore, #tpu.memory_space<semaphore_mem>>
      %dma_start3A_39 = arith.constant 0 : i32
      %dma_start3A_40 = tpu.memref_slice %arg5[%mul3A_6, %dma_start3A_39] : memref<10240x128xf32, #tpu.memory_space<vmem_shared>> -> memref<640x128xf32, #tpu.memory_space<vmem_shared>>
      %dma_start3A_41 = arith.constant 0 : i32
      %dma_start3A_42 = tpu.memref_slice %arg2[%mul3A_4, %dma_start3A_41] : memref<10240x128xf32, #tpu.memory_space<hbm>> -> memref<640x128xf32, #tpu.memory_space<hbm>>
      tpu.enqueue_dma source(%dma_start3A_42 : memref<640x128xf32, #tpu.memory_space<hbm>>) target(%dma_start3A_40 : memref<640x128xf32, #tpu.memory_space<vmem_shared>>) target_semaphore(%run_scoped3A : memref<!tpu.dma_semaphore, #tpu.memory_space<semaphore_mem>>)
      %dma_wait3A_43 = arith.constant 0 : i32
      %dma_wait3A_44 = tpu.memref_slice %arg5[%mul3A_6, %dma_wait3A_43] : memref<10240x128xf32, #tpu.memory_space<vmem_shared>> -> memref<640x128xf32, #tpu.memory_space<vmem_shared>>
      %dma_wait3A_45 = arith.constant 0 : i32
      %dma_wait3A_46 = tpu.memref_slice %arg2[%mul3A_4, %dma_wait3A_45] : memref<10240x128xf32, #tpu.memory_space<hbm>> -> memref<640x128xf32, #tpu.memory_space<hbm>>
      tpu.wait_dma2 semaphore(%run_scoped3A : memref<!tpu.dma_semaphore, #tpu.memory_space<semaphore_mem>>) src(%dma_wait3A_46 : memref<640x128xf32, #tpu.memory_space<hbm>>) dst(%dma_wait3A_44 : memref<640x128xf32, #tpu.memory_space<vmem_shared>>)
      tpu.yield
    }) : () -> ()
    %barrier3A = arith.constant 0 : index
    tpu.barrier barrier_id(%barrier3A)
    %mul3A_7 = arith.constant 8 : i32
    %mul3A_8 = arith.muli %mul3A_7, %add3A : i32
    %mul3A_9 = arith.constant 28 : i32
    %mul3A_10 = arith.muli %mul3A_8, %mul3A_9 : i32
    "tpu.region"() ({
      %run_scoped3A = tpu.sem_alloc : memref<!tpu.dma_semaphore, #tpu.memory_space<semaphore_mem>>
      %dma_start3A_39 = arith.constant 0 : i32
      %dma_start3A_40 = arith.constant 0 : i32
      %dma_start3A_41 = tpu.memref_slice %arg6[%dma_start3A_39, %dma_start3A_40] : memref<16x120xi32, #tpu.memory_space<vmem>> -> memref<8x120xi32, #tpu.memory_space<vmem>>
      %dma_start3A_42 = arith.constant 0 : i32
      %dma_start3A_43 = tpu.memref_slice %arg3[%mul3A_10, %dma_start3A_42] : memref<7168x120xi32, #tpu.memory_space<hbm>> -> memref<8x120xi32, #tpu.memory_space<hbm>>
      %dma_start3A_44 = arith.constant 0 : i32
      %dma_start3A_45 = arith.constant 0 : i32
      %dma_start3A_46 = tpu.memref_slice %arg6[%dma_start3A_44, %dma_start3A_45] : memref<16x120xi32, #tpu.memory_space<vmem>> -> memref<8x120xi32, #tpu.memory_space<vmem>>
      %dma_start3A_47 = arith.constant 0 : i32
      %dma_start3A_48 = tpu.memref_slice %arg3[%mul3A_10, %dma_start3A_47] : memref<7168x120xi32, #tpu.memory_space<hbm>> -> memref<8x120xi32, #tpu.memory_space<hbm>>
      tpu.enqueue_dma source(%dma_start3A_48 : memref<8x120xi32, #tpu.memory_space<hbm>>) target(%dma_start3A_46 : memref<8x120xi32, #tpu.memory_space<vmem>>) target_semaphore(%run_scoped3A : memref<!tpu.dma_semaphore, #tpu.memory_space<semaphore_mem>>)
      %dma_wait3A_49 = arith.constant 0 : i32
      %dma_wait3A_50 = arith.constant 0 : i32
      %dma_wait3A_51 = tpu.memref_slice %arg6[%dma_wait3A_49, %dma_wait3A_50] : memref<16x120xi32, #tpu.memory_space<vmem>> -> memref<8x120xi32, #tpu.memory_space<vmem>>
      %dma_wait3A_52 = arith.constant 0 : i32
      %dma_wait3A_53 = tpu.memref_slice %arg3[%mul3A_10, %dma_wait3A_52] : memref<7168x120xi32, #tpu.memory_space<hbm>> -> memref<8x120xi32, #tpu.memory_space<hbm>>
      %dma_wait3A_54 = arith.constant 0 : i32
      %dma_wait3A_55 = arith.constant 0 : i32
      %dma_wait3A_56 = tpu.memref_slice %arg6[%dma_wait3A_54, %dma_wait3A_55] : memref<16x120xi32, #tpu.memory_space<vmem>> -> memref<8x120xi32, #tpu.memory_space<vmem>>
      %dma_wait3A_57 = arith.constant 0 : i32
      %dma_wait3A_58 = tpu.memref_slice %arg3[%mul3A_10, %dma_wait3A_57] : memref<7168x120xi32, #tpu.memory_space<hbm>> -> memref<8x120xi32, #tpu.memory_space<hbm>>
      tpu.wait_dma2 semaphore(%run_scoped3A : memref<!tpu.dma_semaphore, #tpu.memory_space<semaphore_mem>>) src(%dma_wait3A_58 : memref<8x120xi32, #tpu.memory_space<hbm>>) dst(%dma_wait3A_56 : memref<8x120xi32, #tpu.memory_space<vmem>>)
      tpu.yield
    }) : () -> ()
    %dma_start3A = arith.constant 0 : i32
    %dma_start3A_11 = arith.constant 0 : i32
    %dma_start3A_12 = tpu.memref_slice %arg6[%dma_start3A, %dma_start3A_11] : memref<16x120xi32, #tpu.memory_space<vmem>> -> memref<1x120xi32, #tpu.memory_space<vmem>>
    %dma_start3A_13 = tpu.memref_squeeze %dma_start3A_12 : memref<1x120xi32, #tpu.memory_space<vmem>> -> memref<120xi32, #tpu.memory_space<vmem>>
    %dma_start3A_14 = arith.constant 0 : i32
    %dma_start3A_15 = arith.constant 0 : i32
    %dma_start3A_16 = tpu.memref_slice %arg2[%dma_start3A_14, %dma_start3A_15] : memref<10240x128xf32, #tpu.memory_space<hbm>> -> memref<10240x128xf32, #tpu.memory_space<hbm>>
    tpu.enqueue_indirect_dma source(%dma_start3A_16 : memref<10240x128xf32, #tpu.memory_space<hbm>>) target(%arg7 : memref<120x128xf32, #tpu.memory_space<vmem>>) offsets(%dma_start3A_13 : memref<120xi32, #tpu.memory_space<vmem>>) semaphore(%arg10 : memref<!tpu.dma_semaphore, #tpu.memory_space<semaphore_mem>>)
    %dma_start3A_17 = arith.constant 2 : i32
    %dma_start3A_18 = arith.constant 0 : i32
    %dma_start3A_19 = tpu.memref_slice %arg6[%dma_start3A_17, %dma_start3A_18] : memref<16x120xi32, #tpu.memory_space<vmem>> -> memref<1x120xi32, #tpu.memory_space<vmem>>
    %dma_start3A_20 = tpu.memref_squeeze %dma_start3A_19 : memref<1x120xi32, #tpu.memory_space<vmem>> -> memref<120xi32, #tpu.memory_space<vmem>>
    %dma_start3A_21 = arith.constant 0 : i32
    %dma_start3A_22 = arith.constant 0 : i32
    %dma_start3A_23 = tpu.memref_slice %arg2[%dma_start3A_21, %dma_start3A_22] : memref<10240x128xf32, #tpu.memory_space<hbm>> -> memref<10240x128xf32, #tpu.memory_space<hbm>>
    tpu.enqueue_indirect_dma source(%dma_start3A_23 : memref<10240x128xf32, #tpu.memory_space<hbm>>) target(%arg8 : memref<120x128xf32, #tpu.memory_space<vmem>>) offsets(%dma_start3A_20 : memref<120xi32, #tpu.memory_space<vmem>>) semaphore(%arg11 : memref<!tpu.dma_semaphore, #tpu.memory_space<semaphore_mem>>)
    %scan3A = arith.constant 0 : i32
    %scan3A_24 = arith.constant 28 : i32
    %scan3A_25 = arith.addi %scan3A, %scan3A_24 : i32
    %scan3A_26 = arith.constant 1 : i32
    scf.for %scan3A_39 = %scan3A to %scan3A_25 step %scan3A_26  : i32 {
      %jit3A = arith.constant 2 : i32
      %eq3A = arith.constant 0 : i32
      %eq3A_40 = arith.cmpi eq, %jit3A, %eq3A : i32
      %jit3A_41 = arith.constant 1 : i32
      %select_n3A = arith.select %eq3A_40, %jit3A_41, %jit3A : i32
      %rem3A = arith.remsi %scan3A_39, %select_n3A : i32
      %ne3A = arith.constant 0 : i32
      %ne3A_42 = arith.cmpi ne, %rem3A, %ne3A : i32
      %lt3A = arith.constant 0 : i32
      %lt3A_43 = arith.cmpi slt, %rem3A, %lt3A : i32
      %lt3A_44 = arith.constant 0 : i32
      %lt3A_45 = arith.cmpi slt, %select_n3A, %lt3A_44 : i32
      %ne3A_46 = arith.xori %lt3A_43, %lt3A_45 : i1
      %and3A = arith.andi %ne3A_46, %ne3A_42 : i1
      %add3A_47 = arith.addi %rem3A, %select_n3A : i32
      %select_n3A_48 = arith.select %and3A, %add3A_47, %rem3A : i32
      %mul3A_49 = arith.constant 8 : i32
      %mul3A_50 = arith.muli %select_n3A_48, %mul3A_49 : i32
      %add3A_51 = arith.constant 1 : i32
      %add3A_52 = arith.addi %scan3A_39, %add3A_51 : i32
      %jit3A_53 = arith.constant 2 : i32
      %eq3A_54 = arith.constant 0 : i32
      %eq3A_55 = arith.cmpi eq, %jit3A_53, %eq3A_54 : i32
      %jit3A_56 = arith.constant 1 : i32
      %select_n3A_57 = arith.select %eq3A_55, %jit3A_56, %jit3A_53 : i32
      %rem3A_58 = arith.remsi %add3A_52, %select_n3A_57 : i32
      %ne3A_59 = arith.constant 0 : i32
      %ne3A_60 = arith.cmpi ne, %rem3A_58, %ne3A_59 : i32
      %lt3A_61 = arith.constant 0 : i32
      %lt3A_62 = arith.cmpi slt, %rem3A_58, %lt3A_61 : i32
      %lt3A_63 = arith.constant 0 : i32
      %lt3A_64 = arith.cmpi slt, %select_n3A_57, %lt3A_63 : i32
      %ne3A_65 = arith.xori %lt3A_62, %lt3A_64 : i1
      %and3A_66 = arith.andi %ne3A_65, %ne3A_60 : i1
      %add3A_67 = arith.addi %rem3A_58, %select_n3A_57 : i32
      %select_n3A_68 = arith.select %and3A_66, %add3A_67, %rem3A_58 : i32
      %mul3A_69 = arith.constant 8 : i32
      %mul3A_70 = arith.muli %select_n3A_68, %mul3A_69 : i32
      %add3A_71 = arith.constant 0 : i32
      %add3A_72 = arith.addi %mul3A_50, %add3A_71 : i32
      %dma_wait3A_73 = arith.constant 0 : i32
      %dma_wait3A_74 = tpu.memref_slice %arg6[%add3A_72, %dma_wait3A_73] : memref<16x120xi32, #tpu.memory_space<vmem>> -> memref<1x120xi32, #tpu.memory_space<vmem>>
      %dma_wait3A_75 = tpu.memref_squeeze %dma_wait3A_74 : memref<1x120xi32, #tpu.memory_space<vmem>> -> memref<120xi32, #tpu.memory_space<vmem>>
      %dma_wait3A_76 = arith.constant 0 : i32
      %dma_wait3A_77 = arith.constant 0 : i32
      %dma_wait3A_78 = tpu.memref_slice %arg2[%dma_wait3A_76, %dma_wait3A_77] : memref<10240x128xf32, #tpu.memory_space<hbm>> -> memref<10240x128xf32, #tpu.memory_space<hbm>>
      tpu.wait_indirect_dma semaphore(%arg10 : memref<!tpu.dma_semaphore, #tpu.memory_space<semaphore_mem>>) src(%dma_wait3A_78 : memref<10240x128xf32, #tpu.memory_space<hbm>>) dst(%arg7 : memref<120x128xf32, #tpu.memory_space<vmem>>)
      %add3A_79 = arith.constant 0 : i32
      %add3A_80 = arith.addi %mul3A_50, %add3A_79 : i32
      %add3A_81 = arith.constant 1 : i32
      %add3A_82 = arith.addi %add3A_80, %add3A_81 : i32
      %dma_start3A_83 = arith.constant 0 : i32
      %dma_start3A_84 = tpu.memref_slice %arg6[%add3A_82, %dma_start3A_83] : memref<16x120xi32, #tpu.memory_space<vmem>> -> memref<1x120xi32, #tpu.memory_space<vmem>>
      %dma_start3A_85 = tpu.memref_squeeze %dma_start3A_84 : memref<1x120xi32, #tpu.memory_space<vmem>> -> memref<120xi32, #tpu.memory_space<vmem>>
      %dma_start3A_86 = arith.constant 0 : i32
      %dma_start3A_87 = arith.constant 0 : i32
      %dma_start3A_88 = tpu.memref_slice %arg5[%dma_start3A_86, %dma_start3A_87] : memref<10240x128xf32, #tpu.memory_space<vmem_shared>> -> memref<10240x128xf32, #tpu.memory_space<vmem_shared>>
      tpu.enqueue_indirect_dma source(%arg7 : memref<120x128xf32, #tpu.memory_space<vmem>>) target(%dma_start3A_88 : memref<10240x128xf32, #tpu.memory_space<vmem_shared>>) offsets(%dma_start3A_85 : memref<120xi32, #tpu.memory_space<vmem>>) semaphore(%arg13 : memref<!tpu.dma_semaphore, #tpu.memory_space<semaphore_mem>>) {add = true}
      %gt3A = arith.constant 0 : i32
      %gt3A_89 = arith.cmpi sgt, %scan3A_39, %gt3A : i32
      %convert_element_type3A = arith.extui %gt3A_89 : i1 to i32
      %cond3A = arith.constant 0 : i32
      %cond3A_90 = arith.cmpi ne, %convert_element_type3A, %cond3A : i32
      scf.if %cond3A_90 {
        %add3A_183 = arith.constant 4 : i32
        %add3A_184 = arith.addi %mul3A_70, %add3A_183 : i32
        %add3A_185 = arith.constant 1 : i32
        %add3A_186 = arith.addi %add3A_184, %add3A_185 : i32
        %dma_wait3A_187 = arith.constant 0 : i32
        %dma_wait3A_188 = tpu.memref_slice %arg6[%add3A_186, %dma_wait3A_187] : memref<16x120xi32, #tpu.memory_space<vmem>> -> memref<1x120xi32, #tpu.memory_space<vmem>>
        %dma_wait3A_189 = tpu.memref_squeeze %dma_wait3A_188 : memref<1x120xi32, #tpu.memory_space<vmem>> -> memref<120xi32, #tpu.memory_space<vmem>>
        %dma_wait3A_190 = arith.constant 0 : i32
        %dma_wait3A_191 = arith.constant 0 : i32
        %dma_wait3A_192 = tpu.memref_slice %arg5[%dma_wait3A_190, %dma_wait3A_191] : memref<10240x128xf32, #tpu.memory_space<vmem_shared>> -> memref<10240x128xf32, #tpu.memory_space<vmem_shared>>
        tpu.wait_indirect_dma semaphore(%arg15 : memref<!tpu.dma_semaphore, #tpu.memory_space<semaphore_mem>>) src(%arg9 : memref<120x128xf32, #tpu.memory_space<vmem>>) dst(%dma_wait3A_192 : memref<10240x128xf32, #tpu.memory_space<vmem_shared>>)
      } else {
      }
      %add3A_91 = arith.constant 1 : i32
      %add3A_92 = arith.addi %scan3A_39, %add3A_91 : i32
      %lt3A_93 = arith.constant 28 : i32
      %lt3A_94 = arith.cmpi slt, %add3A_92, %lt3A_93 : i32
      %convert_element_type3A_95 = arith.extui %lt3A_94 : i1 to i32
      %cond3A_96 = arith.constant 0 : i32
      %cond3A_97 = arith.cmpi ne, %convert_element_type3A_95, %cond3A_96 : i32
      scf.if %cond3A_97 {
        %mul3A_183 = arith.constant 28 : i32
        %mul3A_184 = arith.muli %add3A, %mul3A_183 : i32
        %add3A_185 = arith.addi %mul3A_184, %scan3A_39 : i32
        %add3A_186 = arith.constant 1 : i32
        %add3A_187 = arith.addi %add3A_185, %add3A_186 : i32
        %mul3A_188 = arith.constant 8 : i32
        %mul3A_189 = arith.muli %mul3A_188, %add3A_187 : i32
        %dma_start3A_190 = arith.constant 0 : i32
        %dma_start3A_191 = tpu.memref_slice %arg6[%mul3A_70, %dma_start3A_190] : memref<16x120xi32, #tpu.memory_space<vmem>> -> memref<8x120xi32, #tpu.memory_space<vmem>>
        %dma_start3A_192 = arith.constant 0 : i32
        %dma_start3A_193 = tpu.memref_slice %arg3[%mul3A_189, %dma_start3A_192] : memref<7168x120xi32, #tpu.memory_space<hbm>> -> memref<8x120xi32, #tpu.memory_space<hbm>>
        %dma_start3A_194 = arith.constant 0 : i32
        %dma_start3A_195 = tpu.memref_slice %arg6[%mul3A_70, %dma_start3A_194] : memref<16x120xi32, #tpu.memory_space<vmem>> -> memref<8x120xi32, #tpu.memory_space<vmem>>
        %dma_start3A_196 = arith.constant 0 : i32
        %dma_start3A_197 = tpu.memref_slice %arg3[%mul3A_189, %dma_start3A_196] : memref<7168x120xi32, #tpu.memory_space<hbm>> -> memref<8x120xi32, #tpu.memory_space<hbm>>
        tpu.enqueue_dma source(%dma_start3A_197 : memref<8x120xi32, #tpu.memory_space<hbm>>) target(%dma_start3A_195 : memref<8x120xi32, #tpu.memory_space<vmem>>) target_semaphore(%arg16 : memref<!tpu.dma_semaphore, #tpu.memory_space<semaphore_mem>>)
      } else {
      }
      %add3A_98 = arith.constant 4 : i32
      %add3A_99 = arith.addi %mul3A_50, %add3A_98 : i32
      %dma_start3A_100 = arith.constant 0 : i32
      %dma_start3A_101 = tpu.memref_slice %arg6[%add3A_99, %dma_start3A_100] : memref<16x120xi32, #tpu.memory_space<vmem>> -> memref<1x120xi32, #tpu.memory_space<vmem>>
      %dma_start3A_102 = tpu.memref_squeeze %dma_start3A_101 : memref<1x120xi32, #tpu.memory_space<vmem>> -> memref<120xi32, #tpu.memory_space<vmem>>
      %dma_start3A_103 = arith.constant 0 : i32
      %dma_start3A_104 = arith.constant 0 : i32
      %dma_start3A_105 = tpu.memref_slice %arg2[%dma_start3A_103, %dma_start3A_104] : memref<10240x128xf32, #tpu.memory_space<hbm>> -> memref<10240x128xf32, #tpu.memory_space<hbm>>
      tpu.enqueue_indirect_dma source(%dma_start3A_105 : memref<10240x128xf32, #tpu.memory_space<hbm>>) target(%arg9 : memref<120x128xf32, #tpu.memory_space<vmem>>) offsets(%dma_start3A_102 : memref<120xi32, #tpu.memory_space<vmem>>) semaphore(%arg12 : memref<!tpu.dma_semaphore, #tpu.memory_space<semaphore_mem>>)
      %add3A_106 = arith.constant 2 : i32
      %add3A_107 = arith.addi %mul3A_50, %add3A_106 : i32
      %dma_wait3A_108 = arith.constant 0 : i32
      %dma_wait3A_109 = tpu.memref_slice %arg6[%add3A_107, %dma_wait3A_108] : memref<16x120xi32, #tpu.memory_space<vmem>> -> memref<1x120xi32, #tpu.memory_space<vmem>>
      %dma_wait3A_110 = tpu.memref_squeeze %dma_wait3A_109 : memref<1x120xi32, #tpu.memory_space<vmem>> -> memref<120xi32, #tpu.memory_space<vmem>>
      %dma_wait3A_111 = arith.constant 0 : i32
      %dma_wait3A_112 = arith.constant 0 : i32
      %dma_wait3A_113 = tpu.memref_slice %arg2[%dma_wait3A_111, %dma_wait3A_112] : memref<10240x128xf32, #tpu.memory_space<hbm>> -> memref<10240x128xf32, #tpu.memory_space<hbm>>
      tpu.wait_indirect_dma semaphore(%arg11 : memref<!tpu.dma_semaphore, #tpu.memory_space<semaphore_mem>>) src(%dma_wait3A_113 : memref<10240x128xf32, #tpu.memory_space<hbm>>) dst(%arg8 : memref<120x128xf32, #tpu.memory_space<vmem>>)
      %add3A_114 = arith.constant 2 : i32
      %add3A_115 = arith.addi %mul3A_50, %add3A_114 : i32
      %add3A_116 = arith.constant 1 : i32
      %add3A_117 = arith.addi %add3A_115, %add3A_116 : i32
      %dma_start3A_118 = arith.constant 0 : i32
      %dma_start3A_119 = tpu.memref_slice %arg6[%add3A_117, %dma_start3A_118] : memref<16x120xi32, #tpu.memory_space<vmem>> -> memref<1x120xi32, #tpu.memory_space<vmem>>
      %dma_start3A_120 = tpu.memref_squeeze %dma_start3A_119 : memref<1x120xi32, #tpu.memory_space<vmem>> -> memref<120xi32, #tpu.memory_space<vmem>>
      %dma_start3A_121 = arith.constant 0 : i32
      %dma_start3A_122 = arith.constant 0 : i32
      %dma_start3A_123 = tpu.memref_slice %arg5[%dma_start3A_121, %dma_start3A_122] : memref<10240x128xf32, #tpu.memory_space<vmem_shared>> -> memref<10240x128xf32, #tpu.memory_space<vmem_shared>>
      tpu.enqueue_indirect_dma source(%arg8 : memref<120x128xf32, #tpu.memory_space<vmem>>) target(%dma_start3A_123 : memref<10240x128xf32, #tpu.memory_space<vmem_shared>>) offsets(%dma_start3A_120 : memref<120xi32, #tpu.memory_space<vmem>>) semaphore(%arg14 : memref<!tpu.dma_semaphore, #tpu.memory_space<semaphore_mem>>) {add = true}
      %add3A_124 = arith.constant 0 : i32
      %add3A_125 = arith.addi %mul3A_50, %add3A_124 : i32
      %add3A_126 = arith.constant 1 : i32
      %add3A_127 = arith.addi %add3A_125, %add3A_126 : i32
      %dma_wait3A_128 = arith.constant 0 : i32
      %dma_wait3A_129 = tpu.memref_slice %arg6[%add3A_127, %dma_wait3A_128] : memref<16x120xi32, #tpu.memory_space<vmem>> -> memref<1x120xi32, #tpu.memory_space<vmem>>
      %dma_wait3A_130 = tpu.memref_squeeze %dma_wait3A_129 : memref<1x120xi32, #tpu.memory_space<vmem>> -> memref<120xi32, #tpu.memory_space<vmem>>
      %dma_wait3A_131 = arith.constant 0 : i32
      %dma_wait3A_132 = arith.constant 0 : i32
      %dma_wait3A_133 = tpu.memref_slice %arg5[%dma_wait3A_131, %dma_wait3A_132] : memref<10240x128xf32, #tpu.memory_space<vmem_shared>> -> memref<10240x128xf32, #tpu.memory_space<vmem_shared>>
      tpu.wait_indirect_dma semaphore(%arg13 : memref<!tpu.dma_semaphore, #tpu.memory_space<semaphore_mem>>) src(%arg7 : memref<120x128xf32, #tpu.memory_space<vmem>>) dst(%dma_wait3A_133 : memref<10240x128xf32, #tpu.memory_space<vmem_shared>>)
      %add3A_134 = arith.constant 1 : i32
      %add3A_135 = arith.addi %scan3A_39, %add3A_134 : i32
      %lt3A_136 = arith.constant 28 : i32
      %lt3A_137 = arith.cmpi slt, %add3A_135, %lt3A_136 : i32
      %convert_element_type3A_138 = arith.extui %lt3A_137 : i1 to i32
      %cond3A_139 = arith.constant 0 : i32
      %cond3A_140 = arith.cmpi ne, %convert_element_type3A_138, %cond3A_139 : i32
      scf.if %cond3A_140 {
        %mul3A_183 = arith.constant 8 : i32
        %mul3A_184 = arith.muli %mul3A_183, %add3A : i32
        %mul3A_185 = arith.constant 28 : i32
        %mul3A_186 = arith.muli %mul3A_184, %mul3A_185 : i32
        %dma_wait3A_187 = arith.constant 0 : i32
        %dma_wait3A_188 = tpu.memref_slice %arg6[%mul3A_70, %dma_wait3A_187] : memref<16x120xi32, #tpu.memory_space<vmem>> -> memref<8x120xi32, #tpu.memory_space<vmem>>
        %dma_wait3A_189 = arith.constant 0 : i32
        %dma_wait3A_190 = tpu.memref_slice %arg3[%mul3A_186, %dma_wait3A_189] : memref<7168x120xi32, #tpu.memory_space<hbm>> -> memref<8x120xi32, #tpu.memory_space<hbm>>
        %dma_wait3A_191 = arith.constant 0 : i32
        %dma_wait3A_192 = tpu.memref_slice %arg6[%mul3A_70, %dma_wait3A_191] : memref<16x120xi32, #tpu.memory_space<vmem>> -> memref<8x120xi32, #tpu.memory_space<vmem>>
        %dma_wait3A_193 = arith.constant 0 : i32
        %dma_wait3A_194 = tpu.memref_slice %arg3[%mul3A_186, %dma_wait3A_193] : memref<7168x120xi32, #tpu.memory_space<hbm>> -> memref<8x120xi32, #tpu.memory_space<hbm>>
        tpu.wait_dma2 semaphore(%arg16 : memref<!tpu.dma_semaphore, #tpu.memory_space<semaphore_mem>>) src(%dma_wait3A_194 : memref<8x120xi32, #tpu.memory_space<hbm>>) dst(%dma_wait3A_192 : memref<8x120xi32, #tpu.memory_space<vmem>>)
      } else {
      }
      %add3A_141 = arith.constant 1 : i32
      %add3A_142 = arith.addi %scan3A_39, %add3A_141 : i32
      %lt3A_143 = arith.constant 28 : i32
      %lt3A_144 = arith.cmpi slt, %add3A_142, %lt3A_143 : i32
      %convert_element_type3A_145 = arith.extui %lt3A_144 : i1 to i32
      %cond3A_146 = arith.constant 0 : i32
      %cond3A_147 = arith.cmpi ne, %convert_element_type3A_145, %cond3A_146 : i32
      scf.if %cond3A_147 {
        %add3A_183 = arith.constant 0 : i32
        %add3A_184 = arith.addi %mul3A_70, %add3A_183 : i32
        %dma_start3A_185 = arith.constant 0 : i32
        %dma_start3A_186 = tpu.memref_slice %arg6[%add3A_184, %dma_start3A_185] : memref<16x120xi32, #tpu.memory_space<vmem>> -> memref<1x120xi32, #tpu.memory_space<vmem>>
        %dma_start3A_187 = tpu.memref_squeeze %dma_start3A_186 : memref<1x120xi32, #tpu.memory_space<vmem>> -> memref<120xi32, #tpu.memory_space<vmem>>
        %dma_start3A_188 = arith.constant 0 : i32
        %dma_start3A_189 = arith.constant 0 : i32
        %dma_start3A_190 = tpu.memref_slice %arg2[%dma_start3A_188, %dma_start3A_189] : memref<10240x128xf32, #tpu.memory_space<hbm>> -> memref<10240x128xf32, #tpu.memory_space<hbm>>
        tpu.enqueue_indirect_dma source(%dma_start3A_190 : memref<10240x128xf32, #tpu.memory_space<hbm>>) target(%arg7 : memref<120x128xf32, #tpu.memory_space<vmem>>) offsets(%dma_start3A_187 : memref<120xi32, #tpu.memory_space<vmem>>) semaphore(%arg10 : memref<!tpu.dma_semaphore, #tpu.memory_space<semaphore_mem>>)
      } else {
      }
      %add3A_148 = arith.constant 4 : i32
      %add3A_149 = arith.addi %mul3A_50, %add3A_148 : i32
      %dma_wait3A_150 = arith.constant 0 : i32
      %dma_wait3A_151 = tpu.memref_slice %arg6[%add3A_149, %dma_wait3A_150] : memref<16x120xi32, #tpu.memory_space<vmem>> -> memref<1x120xi32, #tpu.memory_space<vmem>>
      %dma_wait3A_152 = tpu.memref_squeeze %dma_wait3A_151 : memref<1x120xi32, #tpu.memory_space<vmem>> -> memref<120xi32, #tpu.memory_space<vmem>>
      %dma_wait3A_153 = arith.constant 0 : i32
      %dma_wait3A_154 = arith.constant 0 : i32
      %dma_wait3A_155 = tpu.memref_slice %arg2[%dma_wait3A_153, %dma_wait3A_154] : memref<10240x128xf32, #tpu.memory_space<hbm>> -> memref<10240x128xf32, #tpu.memory_space<hbm>>
      tpu.wait_indirect_dma semaphore(%arg12 : memref<!tpu.dma_semaphore, #tpu.memory_space<semaphore_mem>>) src(%dma_wait3A_155 : memref<10240x128xf32, #tpu.memory_space<hbm>>) dst(%arg9 : memref<120x128xf32, #tpu.memory_space<vmem>>)
      %add3A_156 = arith.constant 4 : i32
      %add3A_157 = arith.addi %mul3A_50, %add3A_156 : i32
      %add3A_158 = arith.constant 1 : i32
      %add3A_159 = arith.addi %add3A_157, %add3A_158 : i32
      %dma_start3A_160 = arith.constant 0 : i32
      %dma_start3A_161 = tpu.memref_slice %arg6[%add3A_159, %dma_start3A_160] : memref<16x120xi32, #tpu.memory_space<vmem>> -> memref<1x120xi32, #tpu.memory_space<vmem>>
      %dma_start3A_162 = tpu.memref_squeeze %dma_start3A_161 : memref<1x120xi32, #tpu.memory_space<vmem>> -> memref<120xi32, #tpu.memory_space<vmem>>
      %dma_start3A_163 = arith.constant 0 : i32
      %dma_start3A_164 = arith.constant 0 : i32
      %dma_start3A_165 = tpu.memref_slice %arg5[%dma_start3A_163, %dma_start3A_164] : memref<10240x128xf32, #tpu.memory_space<vmem_shared>> -> memref<10240x128xf32, #tpu.memory_space<vmem_shared>>
      tpu.enqueue_indirect_dma source(%arg9 : memref<120x128xf32, #tpu.memory_space<vmem>>) target(%dma_start3A_165 : memref<10240x128xf32, #tpu.memory_space<vmem_shared>>) offsets(%dma_start3A_162 : memref<120xi32, #tpu.memory_space<vmem>>) semaphore(%arg15 : memref<!tpu.dma_semaphore, #tpu.memory_space<semaphore_mem>>) {add = true}
      %add3A_166 = arith.constant 2 : i32
      %add3A_167 = arith.addi %mul3A_50, %add3A_166 : i32
      %add3A_168 = arith.constant 1 : i32
      %add3A_169 = arith.addi %add3A_167, %add3A_168 : i32
      %dma_wait3A_170 = arith.constant 0 : i32
      %dma_wait3A_171 = tpu.memref_slice %arg6[%add3A_169, %dma_wait3A_170] : memref<16x120xi32, #tpu.memory_space<vmem>> -> memref<1x120xi32, #tpu.memory_space<vmem>>
      %dma_wait3A_172 = tpu.memref_squeeze %dma_wait3A_171 : memref<1x120xi32, #tpu.memory_space<vmem>> -> memref<120xi32, #tpu.memory_space<vmem>>
      %dma_wait3A_173 = arith.constant 0 : i32
      %dma_wait3A_174 = arith.constant 0 : i32
      %dma_wait3A_175 = tpu.memref_slice %arg5[%dma_wait3A_173, %dma_wait3A_174] : memref<10240x128xf32, #tpu.memory_space<vmem_shared>> -> memref<10240x128xf32, #tpu.memory_space<vmem_shared>>
      tpu.wait_indirect_dma semaphore(%arg14 : memref<!tpu.dma_semaphore, #tpu.memory_space<semaphore_mem>>) src(%arg8 : memref<120x128xf32, #tpu.memory_space<vmem>>) dst(%dma_wait3A_175 : memref<10240x128xf32, #tpu.memory_space<vmem_shared>>)
      %add3A_176 = arith.constant 1 : i32
      %add3A_177 = arith.addi %scan3A_39, %add3A_176 : i32
      %lt3A_178 = arith.constant 28 : i32
      %lt3A_179 = arith.cmpi slt, %add3A_177, %lt3A_178 : i32
      %convert_element_type3A_180 = arith.extui %lt3A_179 : i1 to i32
      %cond3A_181 = arith.constant 0 : i32
      %cond3A_182 = arith.cmpi ne, %convert_element_type3A_180, %cond3A_181 : i32
      scf.if %cond3A_182 {
        %add3A_183 = arith.constant 2 : i32
        %add3A_184 = arith.addi %mul3A_70, %add3A_183 : i32
        %dma_start3A_185 = arith.constant 0 : i32
        %dma_start3A_186 = tpu.memref_slice %arg6[%add3A_184, %dma_start3A_185] : memref<16x120xi32, #tpu.memory_space<vmem>> -> memref<1x120xi32, #tpu.memory_space<vmem>>
        %dma_start3A_187 = tpu.memref_squeeze %dma_start3A_186 : memref<1x120xi32, #tpu.memory_space<vmem>> -> memref<120xi32, #tpu.memory_space<vmem>>
        %dma_start3A_188 = arith.constant 0 : i32
        %dma_start3A_189 = arith.constant 0 : i32
        %dma_start3A_190 = tpu.memref_slice %arg2[%dma_start3A_188, %dma_start3A_189] : memref<10240x128xf32, #tpu.memory_space<hbm>> -> memref<10240x128xf32, #tpu.memory_space<hbm>>
        tpu.enqueue_indirect_dma source(%dma_start3A_190 : memref<10240x128xf32, #tpu.memory_space<hbm>>) target(%arg8 : memref<120x128xf32, #tpu.memory_space<vmem>>) offsets(%dma_start3A_187 : memref<120xi32, #tpu.memory_space<vmem>>) semaphore(%arg11 : memref<!tpu.dma_semaphore, #tpu.memory_space<semaphore_mem>>)
      } else {
      }
    }
    %scan3A_27 = arith.constant 28 : i32
    %dma_wait3A = arith.constant 13 : i32
    %dma_wait3A_28 = arith.constant 0 : i32
    %dma_wait3A_29 = tpu.memref_slice %arg6[%dma_wait3A, %dma_wait3A_28] : memref<16x120xi32, #tpu.memory_space<vmem>> -> memref<1x120xi32, #tpu.memory_space<vmem>>
    %dma_wait3A_30 = tpu.memref_squeeze %dma_wait3A_29 : memref<1x120xi32, #tpu.memory_space<vmem>> -> memref<120xi32, #tpu.memory_space<vmem>>
    %dma_wait3A_31 = arith.constant 0 : i32
    %dma_wait3A_32 = arith.constant 0 : i32
    %dma_wait3A_33 = tpu.memref_slice %arg5[%dma_wait3A_31, %dma_wait3A_32] : memref<10240x128xf32, #tpu.memory_space<vmem_shared>> -> memref<10240x128xf32, #tpu.memory_space<vmem_shared>>
    tpu.wait_indirect_dma semaphore(%arg15 : memref<!tpu.dma_semaphore, #tpu.memory_space<semaphore_mem>>) src(%arg9 : memref<120x128xf32, #tpu.memory_space<vmem>>) dst(%dma_wait3A_33 : memref<10240x128xf32, #tpu.memory_space<vmem_shared>>)
    %barrier3A_34 = arith.constant 0 : index
    tpu.barrier barrier_id(%barrier3A_34)
    %mul3A_35 = arith.constant 640 : i32
    %mul3A_36 = arith.muli %arg1, %mul3A_35 : i32
    %mul3A_37 = arith.constant 640 : i32
    %mul3A_38 = arith.muli %arg1, %mul3A_37 : i32
    "tpu.region"() ({
      %run_scoped3A = tpu.sem_alloc : memref<!tpu.dma_semaphore, #tpu.memory_space<semaphore_mem>>
      %dma_start3A_39 = arith.constant 0 : i32
      %dma_start3A_40 = tpu.memref_slice %arg4[%arg0, %mul3A_38, %dma_start3A_39] : memref<2x10240x128xf32, #tpu.memory_space<hbm>> -> memref<1x640x128xf32, #tpu.memory_space<hbm>>
      %dma_start3A_41 = tpu.memref_squeeze %dma_start3A_40 : memref<1x640x128xf32, #tpu.memory_space<hbm>> -> memref<640x128xf32, #tpu.memory_space<hbm>>
      %dma_start3A_42 = arith.constant 0 : i32
      %dma_start3A_43 = tpu.memref_slice %arg5[%mul3A_36, %dma_start3A_42] : memref<10240x128xf32, #tpu.memory_space<vmem_shared>> -> memref<640x128xf32, #tpu.memory_space<vmem_shared>>
      tpu.enqueue_dma source(%dma_start3A_43 : memref<640x128xf32, #tpu.memory_space<vmem_shared>>) target(%dma_start3A_41 : memref<640x128xf32, #tpu.memory_space<hbm>>) target_semaphore(%run_scoped3A : memref<!tpu.dma_semaphore, #tpu.memory_space<semaphore_mem>>)
      %dma_wait3A_44 = arith.constant 0 : i32
      %dma_wait3A_45 = tpu.memref_slice %arg4[%arg0, %mul3A_38, %dma_wait3A_44] : memref<2x10240x128xf32, #tpu.memory_space<hbm>> -> memref<1x640x128xf32, #tpu.memory_space<hbm>>
      %dma_wait3A_46 = tpu.memref_squeeze %dma_wait3A_45 : memref<1x640x128xf32, #tpu.memory_space<hbm>> -> memref<640x128xf32, #tpu.memory_space<hbm>>
      %dma_wait3A_47 = arith.constant 0 : i32
      %dma_wait3A_48 = tpu.memref_slice %arg5[%mul3A_36, %dma_wait3A_47] : memref<10240x128xf32, #tpu.memory_space<vmem_shared>> -> memref<640x128xf32, #tpu.memory_space<vmem_shared>>
      tpu.wait_dma2 semaphore(%run_scoped3A : memref<!tpu.dma_semaphore, #tpu.memory_space<semaphore_mem>>) src(%dma_wait3A_48 : memref<640x128xf32, #tpu.memory_space<vmem_shared>>) dst(%dma_wait3A_46 : memref<640x128xf32, #tpu.memory_space<hbm>>)
      tpu.yield
    }) : () -> ()
    return
  }
}

module attributes {stable_mosaic.version = 14 : i64} {
  func.func @_tc1_body(%arg0: i32, %arg1: memref<1024x128xf32, #tpu.memory_space<vmem>>, %arg2: memref<128x128xf32, #tpu.memory_space<vmem>>, %arg3: memref<1024x2xf32, #tpu.memory_space<vmem>>, %arg4: memref<1024x128xf32, #tpu.memory_space<vmem>>, %arg5: memref<1024x1xf32, #tpu.memory_space<vmem>>) attributes {dimension_semantics = [#tpu.dimension_semantics<arbitrary>], iteration_bounds = array<i64: 10>, scalar_prefetch = 0 : i64, scratch_operands = 0 : i64, tpu.core_type = #tpu.core_type<tc>, window_params = [{transform_indices = @transform_0, window_bounds = array<i64: 1024, 128>}, {pipeline_mode = #tpu.pipeline_mode<synchronous>, transform_indices = @transform_1, window_bounds = array<i64: 128, 128>}, {transform_indices = @transform_2, window_bounds = array<i64: 1024, 2>}, {transform_indices = @transform_3, window_bounds = array<i64: 1024, 128>}, {transform_indices = @transform_4, window_bounds = array<i64: 1024, 1>}]} {
    %get3A = arith.constant 0 : index
    %get3A_0 = arith.constant 0 : index
    %get3A_1 = vector.load %arg3[%get3A, %get3A_0] : memref<1024x2xf32, #tpu.memory_space<vmem>>, vector<1024x1xf32>
    %get3A_2 = arith.constant 0 : index
    %get3A_3 = arith.constant 1 : index
    %get3A_4 = vector.load %arg3[%get3A_2, %get3A_3] : memref<1024x2xf32, #tpu.memory_space<vmem>>, vector<1024x1xf32>
    %add3A = arith.addf %get3A_1, %get3A_4 : vector<1024x1xf32>
    %add3A_5 = arith.constant 1.000000e+00 : f32
    %add3A_6 = vector.broadcast %add3A_5 : f32 to vector<1024x1xf32>
    %add3A_7 = arith.addf %add3A, %add3A_6 : vector<1024x1xf32>
    %rsqrt3A = math.rsqrt %add3A_7 : vector<1024x1xf32>
    %get3A_8 = arith.constant 0 : index
    %get3A_9 = arith.constant 0 : index
    %get3A_10 = vector.load %arg1[%get3A_8, %get3A_9] : memref<1024x128xf32, #tpu.memory_space<vmem>>, vector<1024x128xf32>
    %get3A_11 = arith.constant 0 : index
    %get3A_12 = arith.constant 0 : index
    %get3A_13 = vector.load %arg2[%get3A_11, %get3A_12] : memref<128x128xf32, #tpu.memory_space<vmem>>, vector<128x128xf32>
    %dot_general3A = arith.constant dense<0.000000e+00> : vector<1024x128xf32>
    %dot_general3A_14 = tpu.matmul %get3A_10, %get3A_13, %dot_general3A {dimension_numbers = #tpu.dot_dimension_numbers<[1], [0], [0], [1], [0, 0, 1, 1], [], []>, transpose_lhs_hint = false} : vector<1024x128xf32>, vector<128x128xf32>, vector<1024x128xf32> -> vector<1024x128xf32>
    %mul3A = vector.broadcast %rsqrt3A : vector<1024x1xf32> to vector<1024x128xf32>
    %mul3A_15 = arith.mulf %dot_general3A_14, %mul3A : vector<1024x128xf32>
    %swap3A = arith.constant 0 : index
    %swap3A_16 = arith.constant 0 : index
    %swap3A_17 = vector.load %arg4[%swap3A, %swap3A_16] : memref<1024x128xf32, #tpu.memory_space<vmem>>, vector<1024x128xf32>
    tpu.vector_store %arg4[%swap3A, %swap3A_16], %mul3A_15 {strides = array<i32>} : memref<1024x128xf32, #tpu.memory_space<vmem>>, vector<1024x128xf32>,
    %swap3A_18 = arith.constant 0 : index
    %swap3A_19 = arith.constant 0 : index
    %swap3A_20 = vector.load %arg5[%swap3A_18, %swap3A_19] : memref<1024x1xf32, #tpu.memory_space<vmem>>, vector<1024x1xf32>
    tpu.vector_store %arg5[%swap3A_18, %swap3A_19], %rsqrt3A {strides = array<i32>} : memref<1024x1xf32, #tpu.memory_space<vmem>>, vector<1024x1xf32>,
    return
  }
  func.func @transform_0(%arg0: i32) -> (i32, i32) {
    %c0_i32 = arith.constant 0 : i32
    %c0_i32_0 = arith.constant 0 : i32
    return %arg0, %c0_i32 : i32, i32
  }
  func.func @transform_1(%arg0: i32) -> (i32, i32) {
    %c0_i32 = arith.constant 0 : i32
    %c0_i32_0 = arith.constant 0 : i32
    %c0_i32_1 = arith.constant 0 : i32
    return %c0_i32, %c0_i32_0 : i32, i32
  }
  func.func @transform_2(%arg0: i32) -> (i32, i32) {
    %c0_i32 = arith.constant 0 : i32
    %c0_i32_0 = arith.constant 0 : i32
    return %arg0, %c0_i32 : i32, i32
  }
  func.func @transform_3(%arg0: i32) -> (i32, i32) {
    %c0_i32 = arith.constant 0 : i32
    %c0_i32_0 = arith.constant 0 : i32
    return %arg0, %c0_i32 : i32, i32
  }
  func.func @transform_4(%arg0: i32) -> (i32, i32) {
    %c0_i32 = arith.constant 0 : i32
    %c0_i32_0 = arith.constant 0 : i32
    return %arg0, %c0_i32 : i32, i32
  }
}

module attributes {stable_mosaic.version = 14 : i64} {
  func.func @_tc2_body(%arg0: i32, %arg1: memref<2x1024x128xf32, #tpu.memory_space<vmem>>, %arg2: memref<1024x128xf32, #tpu.memory_space<vmem>>, %arg3: memref<1024x1xf32, #tpu.memory_space<vmem>>, %arg4: memref<1x128xf32, #tpu.memory_space<vmem>>, %arg5: memref<1x128xf32, #tpu.memory_space<vmem>>, %arg6: memref<1x128xf32, #tpu.memory_space<vmem>>, %arg7: memref<128x128xf32, #tpu.memory_space<vmem>>, %arg8: memref<1024x128xf32, #tpu.memory_space<vmem>>, %arg9: memref<1024x128xf32, #tpu.memory_space<vmem>>) attributes {dimension_semantics = [#tpu.dimension_semantics<arbitrary>], iteration_bounds = array<i64: 10>, scalar_prefetch = 0 : i64, scratch_operands = 0 : i64, tpu.core_type = #tpu.core_type<tc>, window_params = [{transform_indices = @transform_0, window_bounds = array<i64: 2, 1024, 128>}, {transform_indices = @transform_1, window_bounds = array<i64: 1024, 128>}, {transform_indices = @transform_2, window_bounds = array<i64: 1024, 1>}, {pipeline_mode = #tpu.pipeline_mode<synchronous>, transform_indices = @transform_3, window_bounds = array<i64: 1, 128>}, {pipeline_mode = #tpu.pipeline_mode<synchronous>, transform_indices = @transform_4, window_bounds = array<i64: 1, 128>}, {pipeline_mode = #tpu.pipeline_mode<synchronous>, transform_indices = @transform_5, window_bounds = array<i64: 1, 128>}, {pipeline_mode = #tpu.pipeline_mode<synchronous>, transform_indices = @transform_6, window_bounds = array<i64: 128, 128>}, {transform_indices = @transform_7, window_bounds = array<i64: 1024, 128>}, {transform_indices = @transform_8, window_bounds = array<i64: 1024, 128>}]} {
    %get3A = arith.constant 0 : index
    %get3A_0 = arith.constant 0 : index
    %get3A_1 = arith.constant 0 : index
    %get3A_2 = vector.load %arg1[%get3A, %get3A_0, %get3A_1] : memref<2x1024x128xf32, #tpu.memory_space<vmem>>, vector<1x1024x128xf32>
    %get3A_3 = vector.shape_cast %get3A_2 : vector<1x1024x128xf32> to vector<1024x128xf32>
    %get3A_4 = arith.constant 1 : index
    %get3A_5 = arith.constant 0 : index
    %get3A_6 = arith.constant 0 : index
    %get3A_7 = vector.load %arg1[%get3A_4, %get3A_5, %get3A_6] : memref<2x1024x128xf32, #tpu.memory_space<vmem>>, vector<1x1024x128xf32>
    %get3A_8 = vector.shape_cast %get3A_7 : vector<1x1024x128xf32> to vector<1024x128xf32>
    %add3A = arith.addf %get3A_3, %get3A_8 : vector<1024x128xf32>
    %get3A_9 = arith.constant 0 : index
    %get3A_10 = arith.constant 0 : index
    %get3A_11 = vector.load %arg2[%get3A_9, %get3A_10] : memref<1024x128xf32, #tpu.memory_space<vmem>>, vector<1024x128xf32>
    %sub3A = arith.subf %add3A, %get3A_11 : vector<1024x128xf32>
    %get3A_12 = arith.constant 0 : index
    %get3A_13 = arith.constant 0 : index
    %get3A_14 = vector.load %arg3[%get3A_12, %get3A_13] : memref<1024x1xf32, #tpu.memory_space<vmem>>, vector<1024x1xf32>
    %mul3A = vector.broadcast %get3A_14 : vector<1024x1xf32> to vector<1024x128xf32>
    %mul3A_15 = arith.mulf %sub3A, %mul3A : vector<1024x128xf32>
    %get3A_16 = arith.constant 0 : index
    %get3A_17 = arith.constant 0 : index
    %get3A_18 = vector.load %arg4[%get3A_16, %get3A_17] : memref<1x128xf32, #tpu.memory_space<vmem>>, vector<1x128xf32>
    %add3A_19 = vector.broadcast %get3A_18 : vector<1x128xf32> to vector<1024x128xf32>
    %add3A_20 = arith.addf %mul3A_15, %add3A_19 : vector<1024x128xf32>
    %get3A_21 = arith.constant 0 : index
    %get3A_22 = arith.constant 0 : index
    %get3A_23 = vector.load %arg5[%get3A_21, %get3A_22] : memref<1x128xf32, #tpu.memory_space<vmem>>, vector<1x128xf32>
    %get3A_24 = arith.constant 0 : index
    %get3A_25 = arith.constant 0 : index
    %get3A_26 = vector.load %arg6[%get3A_24, %get3A_25] : memref<1x128xf32, #tpu.memory_space<vmem>>, vector<1x128xf32>
    %reduce_sum3A = arith.constant dense<0.000000e+00> : vector<1024xf32>
    %reduce_sum3A_27 = vector.multi_reduction <add>, %add3A_20, %reduce_sum3A [1] : vector<1024x128xf32> to vector<1024xf32>
    %broadcast_in_dim3A = vector.shape_cast %reduce_sum3A_27 : vector<1024xf32> to vector<1024x1xf32>
    %div3A = arith.constant 1.280000e+02 : f32
    %div3A_28 = vector.broadcast %div3A : f32 to vector<1024x1xf32>
    %div3A_29 = arith.divf %broadcast_in_dim3A, %div3A_28 : vector<1024x1xf32>
    %sub3A_30 = vector.broadcast %div3A_29 : vector<1024x1xf32> to vector<1024x128xf32>
    %sub3A_31 = arith.subf %add3A_20, %sub3A_30 : vector<1024x128xf32>
    %integer_pow3A = arith.mulf %sub3A_31, %sub3A_31 : vector<1024x128xf32>
    %reduce_sum3A_32 = arith.constant dense<0.000000e+00> : vector<1024xf32>
    %reduce_sum3A_33 = vector.multi_reduction <add>, %integer_pow3A, %reduce_sum3A_32 [1] : vector<1024x128xf32> to vector<1024xf32>
    %broadcast_in_dim3A_34 = vector.shape_cast %reduce_sum3A_33 : vector<1024xf32> to vector<1024x1xf32>
    %div3A_35 = arith.constant 1.280000e+02 : f32
    %div3A_36 = vector.broadcast %div3A_35 : f32 to vector<1024x1xf32>
    %div3A_37 = arith.divf %broadcast_in_dim3A_34, %div3A_36 : vector<1024x1xf32>
    %sub3A_38 = vector.broadcast %div3A_29 : vector<1024x1xf32> to vector<1024x128xf32>
    %sub3A_39 = arith.subf %add3A_20, %sub3A_38 : vector<1024x128xf32>
    %add3A_40 = arith.constant 9.99999974E-6 : f32
    %add3A_41 = vector.broadcast %add3A_40 : f32 to vector<1024x1xf32>
    %add3A_42 = arith.addf %div3A_37, %add3A_41 : vector<1024x1xf32>
    %rsqrt3A = math.rsqrt %add3A_42 : vector<1024x1xf32>
    %mul3A_43 = vector.broadcast %rsqrt3A : vector<1024x1xf32> to vector<1024x128xf32>
    %mul3A_44 = arith.mulf %sub3A_39, %mul3A_43 : vector<1024x128xf32>
    %mul3A_45 = vector.broadcast %get3A_23 : vector<1x128xf32> to vector<1024x128xf32>
    %mul3A_46 = arith.mulf %mul3A_44, %mul3A_45 : vector<1024x128xf32>
    %add3A_47 = vector.broadcast %get3A_26 : vector<1x128xf32> to vector<1024x128xf32>
    %add3A_48 = arith.addf %mul3A_46, %add3A_47 : vector<1024x128xf32>
    %max3A = arith.constant 0.000000e+00 : f32
    %max3A_49 = vector.broadcast %max3A : f32 to vector<1024x128xf32>
    %max3A_50 = arith.maximumf %add3A_48, %max3A_49 : vector<1024x128xf32>
    %swap3A = arith.constant 0 : index
    %swap3A_51 = arith.constant 0 : index
    %swap3A_52 = vector.load %arg8[%swap3A, %swap3A_51] : memref<1024x128xf32, #tpu.memory_space<vmem>>, vector<1024x128xf32>
    tpu.vector_store %arg8[%swap3A, %swap3A_51], %max3A_50 {strides = array<i32>} : memref<1024x128xf32, #tpu.memory_space<vmem>>, vector<1024x128xf32>,
    %get3A_53 = arith.constant 0 : index
    %get3A_54 = arith.constant 0 : index
    %get3A_55 = vector.load %arg7[%get3A_53, %get3A_54] : memref<128x128xf32, #tpu.memory_space<vmem>>, vector<128x128xf32>
    %dot_general3A = arith.constant dense<0.000000e+00> : vector<1024x128xf32>
    %dot_general3A_56 = tpu.matmul %max3A_50, %get3A_55, %dot_general3A {dimension_numbers = #tpu.dot_dimension_numbers<[1], [0], [0], [1], [0, 0, 1, 1], [], []>, transpose_lhs_hint = false} : vector<1024x128xf32>, vector<128x128xf32>, vector<1024x128xf32> -> vector<1024x128xf32>
    %get3A_57 = arith.constant 0 : index
    %get3A_58 = arith.constant 0 : index
    %get3A_59 = vector.load %arg3[%get3A_57, %get3A_58] : memref<1024x1xf32, #tpu.memory_space<vmem>>, vector<1024x1xf32>
    %mul3A_60 = vector.broadcast %get3A_59 : vector<1024x1xf32> to vector<1024x128xf32>
    %mul3A_61 = arith.mulf %dot_general3A_56, %mul3A_60 : vector<1024x128xf32>
    %swap3A_62 = arith.constant 0 : index
    %swap3A_63 = arith.constant 0 : index
    %swap3A_64 = vector.load %arg9[%swap3A_62, %swap3A_63] : memref<1024x128xf32, #tpu.memory_space<vmem>>, vector<1024x128xf32>
    tpu.vector_store %arg9[%swap3A_62, %swap3A_63], %mul3A_61 {strides = array<i32>} : memref<1024x128xf32, #tpu.memory_space<vmem>>, vector<1024x128xf32>,
    return
  }
  func.func @transform_0(%arg0: i32) -> (i32, i32, i32) {
    %c0_i32 = arith.constant 0 : i32
    %c0_i32_0 = arith.constant 0 : i32
    %c0_i32_1 = arith.constant 0 : i32
    return %c0_i32, %arg0, %c0_i32_0 : i32, i32, i32
  }
  func.func @transform_1(%arg0: i32) -> (i32, i32) {
    %c0_i32 = arith.constant 0 : i32
    %c0_i32_0 = arith.constant 0 : i32
    return %arg0, %c0_i32 : i32, i32
  }
  func.func @transform_2(%arg0: i32) -> (i32, i32) {
    %c0_i32 = arith.constant 0 : i32
    %c0_i32_0 = arith.constant 0 : i32
    return %arg0, %c0_i32 : i32, i32
  }
  func.func @transform_3(%arg0: i32) -> (i32, i32) {
    %c0_i32 = arith.constant 0 : i32
    %c0_i32_0 = arith.constant 0 : i32
    %c0_i32_1 = arith.constant 0 : i32
    return %c0_i32, %c0_i32_0 : i32, i32
  }
  func.func @transform_4(%arg0: i32) -> (i32, i32) {
    %c0_i32 = arith.constant 0 : i32
    %c0_i32_0 = arith.constant 0 : i32
    %c0_i32_1 = arith.constant 0 : i32
    return %c0_i32, %c0_i32_0 : i32, i32
  }
  func.func @transform_5(%arg0: i32) -> (i32, i32) {
    %c0_i32 = arith.constant 0 : i32
    %c0_i32_0 = arith.constant 0 : i32
    %c0_i32_1 = arith.constant 0 : i32
    return %c0_i32, %c0_i32_0 : i32, i32
  }
  func.func @transform_6(%arg0: i32) -> (i32, i32) {
    %c0_i32 = arith.constant 0 : i32
    %c0_i32_0 = arith.constant 0 : i32
    %c0_i32_1 = arith.constant 0 : i32
    return %c0_i32, %c0_i32_0 : i32, i32
  }
  func.func @transform_7(%arg0: i32) -> (i32, i32) {
    %c0_i32 = arith.constant 0 : i32
    %c0_i32_0 = arith.constant 0 : i32
    return %arg0, %c0_i32 : i32, i32
  }
  func.func @transform_8(%arg0: i32) -> (i32, i32) {
    %c0_i32 = arith.constant 0 : i32
    %c0_i32_0 = arith.constant 0 : i32
    return %arg0, %c0_i32 : i32, i32
  }
}

module attributes {stable_mosaic.version = 14 : i64} {
  func.func @_tc3_body(%arg0: i32, %arg1: memref<2x1024x128xf32, #tpu.memory_space<vmem>>, %arg2: memref<1024x128xf32, #tpu.memory_space<vmem>>, %arg3: memref<1024x1xf32, #tpu.memory_space<vmem>>, %arg4: memref<1x128xf32, #tpu.memory_space<vmem>>, %arg5: memref<1x128xf32, #tpu.memory_space<vmem>>, %arg6: memref<1x128xf32, #tpu.memory_space<vmem>>, %arg7: memref<1024x128xf32, #tpu.memory_space<vmem>>) attributes {dimension_semantics = [#tpu.dimension_semantics<arbitrary>], iteration_bounds = array<i64: 10>, scalar_prefetch = 0 : i64, scratch_operands = 0 : i64, tpu.core_type = #tpu.core_type<tc>, window_params = [{transform_indices = @transform_0, window_bounds = array<i64: 2, 1024, 128>}, {transform_indices = @transform_1, window_bounds = array<i64: 1024, 128>}, {transform_indices = @transform_2, window_bounds = array<i64: 1024, 1>}, {pipeline_mode = #tpu.pipeline_mode<synchronous>, transform_indices = @transform_3, window_bounds = array<i64: 1, 128>}, {pipeline_mode = #tpu.pipeline_mode<synchronous>, transform_indices = @transform_4, window_bounds = array<i64: 1, 128>}, {pipeline_mode = #tpu.pipeline_mode<synchronous>, transform_indices = @transform_5, window_bounds = array<i64: 1, 128>}, {transform_indices = @transform_6, window_bounds = array<i64: 1024, 128>}]} {
    %get3A = arith.constant 0 : index
    %get3A_0 = arith.constant 0 : index
    %get3A_1 = arith.constant 0 : index
    %get3A_2 = vector.load %arg1[%get3A, %get3A_0, %get3A_1] : memref<2x1024x128xf32, #tpu.memory_space<vmem>>, vector<1x1024x128xf32>
    %get3A_3 = vector.shape_cast %get3A_2 : vector<1x1024x128xf32> to vector<1024x128xf32>
    %get3A_4 = arith.constant 1 : index
    %get3A_5 = arith.constant 0 : index
    %get3A_6 = arith.constant 0 : index
    %get3A_7 = vector.load %arg1[%get3A_4, %get3A_5, %get3A_6] : memref<2x1024x128xf32, #tpu.memory_space<vmem>>, vector<1x1024x128xf32>
    %get3A_8 = vector.shape_cast %get3A_7 : vector<1x1024x128xf32> to vector<1024x128xf32>
    %add3A = arith.addf %get3A_3, %get3A_8 : vector<1024x128xf32>
    %get3A_9 = arith.constant 0 : index
    %get3A_10 = arith.constant 0 : index
    %get3A_11 = vector.load %arg2[%get3A_9, %get3A_10] : memref<1024x128xf32, #tpu.memory_space<vmem>>, vector<1024x128xf32>
    %sub3A = arith.subf %add3A, %get3A_11 : vector<1024x128xf32>
    %get3A_12 = arith.constant 0 : index
    %get3A_13 = arith.constant 0 : index
    %get3A_14 = vector.load %arg3[%get3A_12, %get3A_13] : memref<1024x1xf32, #tpu.memory_space<vmem>>, vector<1024x1xf32>
    %mul3A = vector.broadcast %get3A_14 : vector<1024x1xf32> to vector<1024x128xf32>
    %mul3A_15 = arith.mulf %sub3A, %mul3A : vector<1024x128xf32>
    %get3A_16 = arith.constant 0 : index
    %get3A_17 = arith.constant 0 : index
    %get3A_18 = vector.load %arg4[%get3A_16, %get3A_17] : memref<1x128xf32, #tpu.memory_space<vmem>>, vector<1x128xf32>
    %add3A_19 = vector.broadcast %get3A_18 : vector<1x128xf32> to vector<1024x128xf32>
    %add3A_20 = arith.addf %mul3A_15, %add3A_19 : vector<1024x128xf32>
    %get3A_21 = arith.constant 0 : index
    %get3A_22 = arith.constant 0 : index
    %get3A_23 = vector.load %arg5[%get3A_21, %get3A_22] : memref<1x128xf32, #tpu.memory_space<vmem>>, vector<1x128xf32>
    %get3A_24 = arith.constant 0 : index
    %get3A_25 = arith.constant 0 : index
    %get3A_26 = vector.load %arg6[%get3A_24, %get3A_25] : memref<1x128xf32, #tpu.memory_space<vmem>>, vector<1x128xf32>
    %reduce_sum3A = arith.constant dense<0.000000e+00> : vector<1024xf32>
    %reduce_sum3A_27 = vector.multi_reduction <add>, %add3A_20, %reduce_sum3A [1] : vector<1024x128xf32> to vector<1024xf32>
    %broadcast_in_dim3A = vector.shape_cast %reduce_sum3A_27 : vector<1024xf32> to vector<1024x1xf32>
    %div3A = arith.constant 1.280000e+02 : f32
    %div3A_28 = vector.broadcast %div3A : f32 to vector<1024x1xf32>
    %div3A_29 = arith.divf %broadcast_in_dim3A, %div3A_28 : vector<1024x1xf32>
    %sub3A_30 = vector.broadcast %div3A_29 : vector<1024x1xf32> to vector<1024x128xf32>
    %sub3A_31 = arith.subf %add3A_20, %sub3A_30 : vector<1024x128xf32>
    %integer_pow3A = arith.mulf %sub3A_31, %sub3A_31 : vector<1024x128xf32>
    %reduce_sum3A_32 = arith.constant dense<0.000000e+00> : vector<1024xf32>
    %reduce_sum3A_33 = vector.multi_reduction <add>, %integer_pow3A, %reduce_sum3A_32 [1] : vector<1024x128xf32> to vector<1024xf32>
    %broadcast_in_dim3A_34 = vector.shape_cast %reduce_sum3A_33 : vector<1024xf32> to vector<1024x1xf32>
    %div3A_35 = arith.constant 1.280000e+02 : f32
    %div3A_36 = vector.broadcast %div3A_35 : f32 to vector<1024x1xf32>
    %div3A_37 = arith.divf %broadcast_in_dim3A_34, %div3A_36 : vector<1024x1xf32>
    %sub3A_38 = vector.broadcast %div3A_29 : vector<1024x1xf32> to vector<1024x128xf32>
    %sub3A_39 = arith.subf %add3A_20, %sub3A_38 : vector<1024x128xf32>
    %add3A_40 = arith.constant 9.99999974E-6 : f32
    %add3A_41 = vector.broadcast %add3A_40 : f32 to vector<1024x1xf32>
    %add3A_42 = arith.addf %div3A_37, %add3A_41 : vector<1024x1xf32>
    %rsqrt3A = math.rsqrt %add3A_42 : vector<1024x1xf32>
    %mul3A_43 = vector.broadcast %rsqrt3A : vector<1024x1xf32> to vector<1024x128xf32>
    %mul3A_44 = arith.mulf %sub3A_39, %mul3A_43 : vector<1024x128xf32>
    %mul3A_45 = vector.broadcast %get3A_23 : vector<1x128xf32> to vector<1024x128xf32>
    %mul3A_46 = arith.mulf %mul3A_44, %mul3A_45 : vector<1024x128xf32>
    %add3A_47 = vector.broadcast %get3A_26 : vector<1x128xf32> to vector<1024x128xf32>
    %add3A_48 = arith.addf %mul3A_46, %add3A_47 : vector<1024x128xf32>
    %max3A = arith.constant 0.000000e+00 : f32
    %max3A_49 = vector.broadcast %max3A : f32 to vector<1024x128xf32>
    %max3A_50 = arith.maximumf %add3A_48, %max3A_49 : vector<1024x128xf32>
    %swap3A = arith.constant 0 : index
    %swap3A_51 = arith.constant 0 : index
    %swap3A_52 = vector.load %arg7[%swap3A, %swap3A_51] : memref<1024x128xf32, #tpu.memory_space<vmem>>, vector<1024x128xf32>
    tpu.vector_store %arg7[%swap3A, %swap3A_51], %max3A_50 {strides = array<i32>} : memref<1024x128xf32, #tpu.memory_space<vmem>>, vector<1024x128xf32>,
    return
  }
  func.func @transform_0(%arg0: i32) -> (i32, i32, i32) {
    %c0_i32 = arith.constant 0 : i32
    %c0_i32_0 = arith.constant 0 : i32
    %c0_i32_1 = arith.constant 0 : i32
    return %c0_i32, %arg0, %c0_i32_0 : i32, i32, i32
  }
  func.func @transform_1(%arg0: i32) -> (i32, i32) {
    %c0_i32 = arith.constant 0 : i32
    %c0_i32_0 = arith.constant 0 : i32
    return %arg0, %c0_i32 : i32, i32
  }
  func.func @transform_2(%arg0: i32) -> (i32, i32) {
    %c0_i32 = arith.constant 0 : i32
    %c0_i32_0 = arith.constant 0 : i32
    return %arg0, %c0_i32 : i32, i32
  }
  func.func @transform_3(%arg0: i32) -> (i32, i32) {
    %c0_i32 = arith.constant 0 : i32
    %c0_i32_0 = arith.constant 0 : i32
    %c0_i32_1 = arith.constant 0 : i32
    return %c0_i32, %c0_i32_0 : i32, i32
  }
  func.func @transform_4(%arg0: i32) -> (i32, i32) {
    %c0_i32 = arith.constant 0 : i32
    %c0_i32_0 = arith.constant 0 : i32
    %c0_i32_1 = arith.constant 0 : i32
    return %c0_i32, %c0_i32_0 : i32, i32
  }
  func.func @transform_5(%arg0: i32) -> (i32, i32) {
    %c0_i32 = arith.constant 0 : i32
    %c0_i32_0 = arith.constant 0 : i32
    %c0_i32_1 = arith.constant 0 : i32
    return %c0_i32, %c0_i32_0 : i32, i32
  }
  func.func @transform_6(%arg0: i32) -> (i32, i32) {
    %c0_i32 = arith.constant 0 : i32
    %c0_i32_0 = arith.constant 0 : i32
    return %arg0, %c0_i32 : i32, i32
  }
}

</mosaic_0001>

<sc_bundles>
// kernel: kernel.11.cloned.1.call-start
scs
__scs_entry_jumppad:
0x0: {  	(pc) =	sbr.rel $0x88, $3  }
0x1: {  	(tag) =	ssettag $0x0;
	lr =	simm.s32 $0x1  }
0x2: {  	[smem:$0x3F99] =	sst lr;
	_ =	strace $0xD0000000  }
0x3: {  	_ = 	snop  }
0x4: {  	_ = 	snop  }
0x5: {  	_ = 	snop  }
0x6: {  	_ = 	snop  }
0x7: {  	_ = 	snop  }
__scs_overlays_trampoline_lowered:
0x8: {  	[smem:$0x3FA8] =	sst s0  }
0x9: {  	[smem:$0x3FA9] =	sst s1  }
0xa: {  	[smem:$0x3FAA] =	sst s2  }
0xb: {  	[smem:$0x3FAB] =	sst s3  }
0xc: {  	[smem:$0x3FAC] =	sst s4  }
0xd: {  	[smem:$0x3FAD] =	sst s5  }
0xe: {  	[smem:$0x3FAE] =	sst s6  }
0xf: {  	[smem:$0x3FAF] =	sst s7  }
0x10: {  	[smem:$0x3FB0] =	sst s8  }
0x11: {  	[smem:$0x3FB1] =	sst s9;
	s0 =	simm.s32 @!p0 $0x0  }
0x12: {  	s1 =	sld [smem:$0x3F97];
	s0 =	simm.s32 @p0 $0x1  }
0x13: {  	[smem:$0x3FB2] =	sst s0;
	s0 =	simm.s32 @!p1 $0x0  }
0x14: {  	s2 =	sld [smem:$0x3F96];
	s0 =	simm.s32 @p1 $0x1  }
0x15: {  	[smem:$0x3FB3] =	sst s0;
	s0 =	simm.s32 @!p2 $0x0  }
0x16: {  	s3 =	sld [smem:$0x3FDB];
	s0 =	simm.s32 @p2 $0x1  }
0x17: {  	s4 =	simm.s32 $0x1BF5;
	[smem:$0x3FB5] =	sst s0  }
0x18: {  	s0 =	sld [smem:$0x3F98];
	_ =	swait.ge [sflag:s4], $0x0  }
0x19: {  	s7 =	sld [smem:$0x3F99]  }
0x1a: {  	s8 =	sadd.s32 $0xFFFFE003, lr  }
0x1b: {  	s9 =	sadd.s32 $0xFFFFFEF7, lr;
	s5 =	simm.s32 $0xFFFFFFFF;
	p2 =	slt.u32 s8, $0xFFFFF086  }
0x1c: {  	p1 =	slt.u32 s9, $0xF7A;
	s5 =	simm.s32 @!p2 $0x0  }
0x1d: {  	s5 =	simm.s32 @p1 $0x1;
	p0 =	seq.s32 s7, s2  }
0x1e: {  	s7 =	smul.u32 @!p0 $0xF7A, s2;
	p2 =	seq.s32 @!p0 s5, $0x0  }
0x1f: {  	s9 =	smul.u32 $0xF7A, s1;
	s8 =	simm.s32 @!p0 $0x1BF5;
	p2 =	por !p2, p0  }
0x20: {  	[sflag:s8] =	ssyncset.s32 @!p0 $0xFFFFF086;
	s6 =	sadd.s32 @!p0 s3, s7;
	s7 =	simm.s32 @!p0 $0x108  }
0x21: {  	s3 =	sadd.s32 s3, s9;
	s6 =	sadd.s32 @!p0 $0x88, s6;
	s7 =	simm.s32 @p2 $0x1082  }
0x22: {  	[simem:s7], [sflag:s8] =	dma.local @!p0 [hbm:s6], $0xF7A  }
0x23: {  	s9 =	sor.u32 $0xD0000000, s2;
	s6 =	simm.s32 $0x108;
	_ =	swait.ge @!p0 [sflag:s8], $0x0  }
0x24: {  	s3 =	sadd.s32 $0x88, s3;
	s6 =	simm.s32 @!p1 $0x1082;
	[sflag:s4] =	ssyncset.s32 $0xFFFFF086  }
0x25: {  	[simem:s6], [sflag:s4] =	dma.local [hbm:s3], $0xF7A  }
0x26: {  	[smem:$0x3F99] =	sst s1;
	(tag) =	ssettag s2;
	_ =	strace s9  }
0x27: {  	s1 =	sld [smem:$0x3FA9]  }
0x28: {  	s2 =	sld [smem:$0x3FAA]  }
0x29: {  	s4 =	sld [smem:$0x3FAC]  }
0x2a: {  	p0 =	seq.s32 s5, $0x0;
	s5 =	sld [smem:$0x3FAD]  }
0x2b: {  	s6 =	sld [smem:$0x3FAE]  }
0x2c: {  	s7 =	sld [smem:$0x3FAF]  }
0x2d: {  	s3 =	simm.s32 $0x108;
	s8 =	sld [smem:$0x3FB0]  }
0x2e: {  	s3 =	simm.s32 @!p0 $0x1082;
	s9 =	sld [smem:$0x3FB1]  }
0x2f: {  	lr =	sadd.s32 s0, s3;
	s0 =	sld [smem:$0x3FA8]  }
0x30: {  	s3 =	sld [smem:$0x3FAB]  }
0x31: {  	[smem:$0x3FB4] =	sst s10  }
0x32: {  	s10 =	sld [smem:$0x3FB2];
	_ =	sdelay $0x3  }
0x33: {  	p0 =	seq.s32 s10, $0x1;
	s10 =	sld [smem:$0x3FB4];
	_ =	sdelay $0x3  }
0x34: {  	[smem:$0x3FB4] =	sst s10  }
0x35: {  	s10 =	sld [smem:$0x3FB3];
	_ =	sdelay $0x3  }
0x36: {  	p1 =	seq.s32 s10, $0x1;
	s10 =	sld [smem:$0x3FB4];
	_ =	sdelay $0x3  }
0x37: {  	[smem:$0x3FB4] =	sst s10  }
0x38: {  	s10 =	sld [smem:$0x3FB5]  }
0x39: {  	_ = 	snop;
	(pc) =	sbr.ind lr, $3  }
0x3a: {  	_ = 	snop  }
0x3b: {  	_ = 	snop  }
0x3c: {  	p2 =	seq.s32 s10, $0x1;
	s10 =	sld [smem:$0x3FB4]  }
0x3d: {  	_ =	shalt  }
0x3e: {  	_ =	shalt  }
0x3f: {  	_ =	shalt  }
0x40: {  	_ =	shalt  }
0x41: {  	_ =	shalt  }
0x42: {  	_ =	shalt  }
0x43: {  	_ =	shalt  }
0x44: {  	_ =	shalt  }
0x45: {  	_ =	shalt  }
0x46: {  	_ =	shalt  }
0x47: {  	_ =	shalt  }
0x48: {  	_ =	shalt  }
0x49: {  	_ =	shalt  }
0x4a: {  	_ =	shalt  }
0x4b: {  	_ =	shalt  }
0x4c: {  	_ =	shalt  }
0x4d: {  	_ =	shalt  }
0x4e: {  	_ =	shalt  }
0x4f: {  	_ =	shalt  }
0x50: {  	_ =	shalt  }
0x51: {  	_ =	shalt  }
0x52: {  	_ =	shalt  }
0x53: {  	_ =	shalt  }
0x54: {  	_ =	shalt  }
0x55: {  	_ =	shalt  }
0x56: {  	_ =	shalt  }
0x57: {  	_ =	shalt  }
0x58: {  	_ =	shalt  }
0x59: {  	_ =	shalt  }
0x5a: {  	_ =	shalt  }
0x5b: {  	_ =	shalt  }
0x5c: {  	_ =	shalt  }
0x5d: {  	_ =	shalt  }
0x5e: {  	_ =	shalt  }
0x5f: {  	_ =	shalt  }
0x60: {  	_ =	shalt  }
0x61: {  	_ =	shalt  }
0x62: {  	_ =	shalt  }
0x63: {  	_ =	shalt  }
0x64: {  	_ =	shalt  }
0x65: {  	_ =	shalt  }
0x66: {  	_ =	shalt  }
0x67: {  	_ =	shalt  }
0x68: {  	_ =	shalt  }
0x69: {  	_ =	shalt  }
0x6a: {  	_ =	shalt  }
0x6b: {  	_ =	shalt  }
0x6c: {  	_ =	shalt  }
0x6d: {  	_ =	shalt  }
0x6e: {  	_ =	shalt  }
0x6f: {  	_ =	shalt  }
0x70: {  	_ =	shalt  }
0x71: {  	_ =	shalt  }
0x72: {  	_ =	shalt  }
0x73: {  	_ =	shalt  }
0x74: {  	_ =	shalt  }
0x75: {  	_ =	shalt  }
0x76: {  	_ =	shalt  }
0x77: {  	_ =	shalt  }
0x78: {  	_ =	shalt  }
0x79: {  	_ =	shalt  }
0x7a: {  	_ =	shalt  }
0x7b: {  	_ =	shalt  }
0x7c: {  	_ =	shalt  }
0x7d: {  	_ =	shalt  }
0x7e: {  	_ =	shalt  }
0x7f: {  	_ =	shalt  }
0x80: {  	_ =	shalt  }
0x81: {  	_ =	shalt  }
0x82: {  	_ =	shalt  }
0x83: {  	_ =	shalt  }
0x84: {  	_ =	shalt  }
0x85: {  	_ =	shalt  }
0x86: {  	_ =	shalt  }
0x87: {  	_ =	shalt  }
.Lfunc_end0:
.L_simem_size_0:
called_computation.1_lowered:
.L_overlay_start_0:
0x88: {  	s2 =	sld [smem:$0x3FD9]  }
0x89: {  	s3 =	sld [smem:$0x3FFE];
	_ =	sdelay $0x1  }
0x8a: {  	s1 =	srdreg.scid  }
0x8b: {  	s0 =	sand.u32 $0x1, s1  }
0x8c: {  	s14 =	sshll.u32 s0, $0xA;
	s2 =	sadd.s32 s3, s2  }
0x8d: {  	s2 =	sadd.s32 s2, s14  }
0x8e: {  	[smem:$0x3FC0] =	sst s2  }
0x8f: {  	_ = 	snop  }
0x90: {  	s2 =	sld [smem:$0x3FD0];
	_ =	sdelay $0x2  }
0x91: {  	s15 =	simm.s32 $0xA;
	s4 =	simm.s32 $0x10  }
0x92: {  	[smem:s4], [sflag:s15] =	dma.local [hbm:s2], $0x1  }
0x93: {  	_ =	swait.eq [sflag:s15], $0x1  }
0x94: {  	[sflag:s15] =	ssyncset.done $0x0  }
0x95: {  	[sflag:s15] =	ssyncadd.s32 $0xFFFFFFFF  }
0x96: {  	s16 =	sld [smem:$0x11];
	(tm) =	ssettm $0x1  }
0x97: {  	s17 =	sld [smem:$0x3FFB];
	_ =	sdelay $0x3  }
0x98: {  	_ =	strace s17  }
0x99: {  	s3 =	sld [smem:$0x3FFC];
	_ =	sdelay $0x3  }
0x9a: {  	_ =	strace s3  }
0x9b: {  	s3 =	sld [smem:$0x3FFD];
	_ =	sdelay $0x3  }
0x9c: {  	_ =	strace s3  }
0x9d: {  	_ =	strace $0x8FFFFFFF  }
0x9e: {  	s18 =	sld [smem:$0x3FDB];
	_ =	sdelay $0x1  }
0x9f: {  	s19 =	simm.s32 $_scs_section_size  }
0xa0: {  	s5 =	simm.s32 $_size__tile_overlayer_lowered;
	s6 =	simm.s32 $_tile_overlayer_lowered  }
0xa1: {  	s22 =	simm.s32 $0x1BFF;
	s21 =	sshll.u32 s6, $0x1;
	s3 =	sadd.s32 s19, s18  }
0xa2: {  	s7 =	simm.s32 $0x0;
	s20 =	sshll.u32 s5, $0x1;
	s5 =	sadd.s32 s21, s3  }
0xa3: {  	[timem:s7], [sflag:s22] =	dma.local [hbm:s5], s20  }
0xa4: {  	_ =	swait.ge [sflag:s22], s20  }
0xa5: {  	s4 =	ssub.s32 $0x0, s20;
	[sflag:s22] =	ssyncset.done $0x0  }
0xa6: {  	[sflag:s22] =	ssyncadd.s32 s4;
	_ =	sdelay $0x1  }
0xa7: {  	s23 =	simm.s32 $0x1B8B  }
0xa8: {  	_ =	swait.ge [sflag:s23], $0x1  }
0xa9: {  	[sflag:s23] =	ssyncset.done $0x0  }
0xaa: {  	s25 =	simm.s32 $0x1B8E;
	s24 =	sld [smem:$0x3FFE];
	[sflag:s23] =	ssyncadd.s32 $0xFFFFFFFF  }
0xab: {  	s26 =	simm.s32 $execute0_lowered;
	[smem:$0x3FD2] =	sst s25  }
0xac: {  	s5 =	sshll.u32 s26, $0x1;
	_ =	strace $0x80000049;
	[dreg:$0x1] =	wrdreg $0xFFFFFFFF  }
0xad: {  	s28 =	simm.s32 $_size_execute0_lowered;
	s3 =	sadd.s32 s3, s5;
	[dreg:$0x0] =	wrdreg $0x0  }
0xae: {  	s5 =	sshll.u32 s28, $0x1;
	[dreg:$0x2] =	wrdreg s3  }
0xaf: {  	[dreg:$0x3] =	wrdreg s5  }
0xb0: {  	[dreg:$0x4] =	wrdreg $0xC0  }
0xb1: {  	_ =	task [dreg:s7], $0x5FFFF  }
0xb2: {  	[dreg:$0x1] =	wrdreg $0xFFFFFFFF  }
0xb3: {  	[dreg:$0x0] =	wrdreg $0x60  }
0xb4: {  	[dreg:$0x2] =	wrdreg s24  }
0xb5: {  	[dreg:$0x3] =	wrdreg s16  }
0xb6: {  	[dreg:$0x4] =	wrdreg $0x0  }
0xb7: {  	[dreg:$0x5] =	wrdreg $0x9  }
0xb8: {  	_ =	task.clear_ibuf [dreg:s7], $0x6FFFF;
	_ =	strace $0x90000049  }
0xb9: {  	s29 =	simm.s32 $0x9;
	_ =	strace $0x8000004B  }
0xba: {  	_ =	swait.ge [sflag:s29], $0x1  }
0xbb: {  	[sflag:s29] =	ssyncadd.s32 $0xFFFFFFFF  }
0xbc: {  	_ =	strace $0x9000004B  }
0xbd: {  	_ =	sfence  }
0xbe: {  	s30 =	sld [smem:$0x0];
	_ =	sdelay $0x2  }
0xbf: {  	s31 =	sshll.u32 s1, $0xD;
	s1 =	sshrl.u32 s1, $0x2  }
0xc0: {  	s3 =	sand.u32 $0x4000, s31;
	s1 =	sadd.s32 s1, s30  }
0xc1: {  	s0 =	sor.u32 s3, s0;
	s1 =	sshll.u32 s1, $0x11  }
0xc2: {  	s0 =	sor.u32 s1, s0  }
0xc3: {  	s0 =	sadd.s32 $0x8F2B, s0  }
0xc4: {  	[sflag:s0] =	ssyncadd.remote.s32 $0x1  }
0xc5: {  	_ =	sfence.sel $0xFFFF  }
0xc6: {  	[dreg:$0x0] =	wrdreg $0xFFFFFFFF;
	(pc) =	sbr.abs _section_cstart, $3  }
0xc7: {  	[dreg:$0x1] =	wrdreg $0xFFFFFFFF  }
0xc8: {  	_ =	task.clear_ibuf [dreg:s7], $0x2FFFF;
	_ =	strace $0x9FFFFFFF  }
0xc9: {  	(tm) =	ssettm $0x7FFFFFFF  }
tec
execute0_lowered:
.L_overlay_start_1:
0x0: {  	(tag) =	ssettag $0x1  }
0x1: {  	s0 =	rddreg [dreg:$0x0];
	s1 =	srdreg.scid  }
0x2: {  	s13 =	stileid.u32;
	s8 =	rddreg [dreg:$0x1]  }
0x3: {  	s2 =	rddreg [dreg:$0x2];
	s3 =	simm.s32 $0x0;
	s14 =	simm.s32 $0x14000  }
0x4: {  	s15 =	simm.s32 $0x78;
	s16 =	simm.s32 $0x14800;
	s18 =	simm.s32 $0x18400  }
0x5: {  	s19 =	simm.s32 $0x1;
	s21 =	simm.s32 $0x14400;
	s28 =	simm.s32 $0x7  }
0x6: {  	s29 =	simm.s32 $0x3;
	s31 =	simm.s32 $0x5;
	s5 =	smul.u32 $0x14000, s13  }
0x7: {  	s17 =	simm.s32 $0x0;
	s1 =	sand.u32 $0x1, s1;
	s10 =	smul.u32 $0x50000, s13  }
0x8: {  	[smem:$0x7FF] =	sst s3;
	s25 =	sshll.u32 s13, $0x6;
	s26 =	smul.u32 $0xE00, s13  }
0x9: {  	s4 =	smul.u32 $0x140000, s1;
	_ =	strace $0x8000004A;
	s7 =	ssub.s32 $0x2, s1  }
0xa: {  	s9 =	sshll.u32 s1, $0x4;
	s1 =	smul.u32 $0xE000, s1;
	s22 =	sshrl.u32 s7, $0x1  }
0xb: {  	s9 =	sor.u32 s13, s9;
	s23 =	sshrl.u32 s10, $0x2;
	s13 =	simm.s32 $0x8  }
0xc: {  	s6 =	sadd.s32 s5, s4;
	s4 =	sadd.s32 $0x3400, s0;
	s11 =	ssub.s32 s7, s22  }
0xd: {  	s24 =	smul.u32 $0xE00, s9;
	s12 =	sadd.s32 s23, s2;
	s5 =	sshrl.u32 s5, $0x3  }
0xe: {  	s1 =	sadd.s32 s1, s8;
	s23 =	simm.s32 $0x1C000;
	s6 =	sshrl.u32 s6, $0x3  }
.Ltmp0:
0xf: {  	s5 =	sadd.s32 s4, s5;
	s9 =	smax.u32 s11, $0x1;
	(pc) =	sbr.rel .LBB2_1-.Ltmp0, $4  }
0x10: {  	s30 =	sadd.s32 s26, s1;
	s12 =	sshrl.u32 s12, $0x3;
	s26 =	simm.s32 $0x4  }
0x11: {  	s0 =	sadd.s32 s6, s0;
	[dreg:$0x4] =	wrdreg s5;
	s6 =	sor.u32 $0x1C08, s25  }
0x12: {  	s7 =	sadd.s32 s8, s24;
	s22 =	sadd.s32 $0x100, s30;
	s24 =	simm.s32 $0x2  }
0x13: {  	s8 =	sadd.s32 $0x2B400, s0;
	s10 =	sadd.s32 $0x80, s7;
	s0 =	simm.s32 $0x6  }
.LBB2_3:
0x14: {  	s11 =	sadd.s32 $0x14200, s25  }
0x15: {  	[tilespmem:s23], [sflag:$0x3] =	stream.indirect.gather [hbm4b:s4+s15], $0x80, s11, s15, $0xb8;
	[tilespmem:$0x1FC00] =	vst v63  }
0x16: {  	_ =	swait.ge [sflag:s24], $0x3C00  }
0x17: {  	[sflag:s24] =	ssyncset.done $0x0  }
0x18: {  	s20 =	sadd.s32 $0x14180, s25;
	[sflag:s24] =	ssyncadd.s32 $0xFFFFC400  }
0x19: {  	[spmem:s2] =	stream.indirect.scatter.add.f32 [tilespmem:s18], [sflag:$0x5], $0x80, s20, s15, $0xb8;
	[tilespmem:$0x1FC00] =	vst v63  }
0x1a: {  	_ =	swait.ge [sflag:s26], $0x3C00  }
0x1b: {  	[sflag:s26] =	ssyncset.done $0x0  }
0x1c: {  	[sflag:s26] =	ssyncadd.s32 $0xFFFFC400  }
0x1d: {  	_ =	swait.ge [sflag:s29], $0x3C00  }
0x1e: {  	[sflag:s29] =	ssyncset.done $0x0  }
0x1f: {  	s30 =	sadd.s32 $0x14280, s25;
	[sflag:s29] =	ssyncadd.s32 $0xFFFFC400  }
0x20: {  	[spmem:s2] =	stream.indirect.scatter.add.f32 [tilespmem:s23], [sflag:$0x6], $0x80, s30, s15, $0xb8;
	[tilespmem:$0x1FC00] =	vst v63  }
0x21: {  	_ =	swait.ge [sflag:s31], $0x3C00  }
0x22: {  	[sflag:s31] =	ssyncset.done $0x0  }
0x23: {  	[sflag:s31] =	ssyncadd.s32 $0xFFFFC400  }
.LBB2_5:
0x24: {  	_ =	swait.ge [sflag:s0], $0x3C00  }
0x25: {  	s17 =	sadd.s32 $0x1, s17;
	[sflag:s0] =	ssyncset.done $0x0  }
0x26: {  	p0 =	sne.s32 s17, s9;
	[sflag:s0] =	ssyncadd.s32 $0xFFFFC400  }
.Ltmp1:
0x27: {  	[bflag:$0x0] =	sbarrier.arrive $0xFFFF;
	(pc) =	sbr.rel @!p0 .LBB2_6-.Ltmp1, $4  }
0x28: {  	[hbm:s8], [sflag:s6] =	dma.local [spmem:s12], $0x2800  }
0x29: {  	_ =	swait.ge [sflag:s13], $0x2800  }
0x2a: {  	[sflag:s13] =	ssyncset.done $0x0  }
0x2b: {  	[sflag:s13] =	ssyncadd.s32 $0xFFFFD800  }
.LBB2_1:
0x2c: {  	s1 =	rddreg [dreg:$0x4]  }
0x2d: {  	[spmem:s12], [sflag:s6] =	dma.local [hbm:s1], $0x2800  }
0x2e: {  	_ =	swait.ge [sflag:s13], $0x2800  }
0x2f: {  	[sflag:s13] =	ssyncset.done $0x0  }
0x30: {  	[sflag:s13] =	ssyncadd.s32 $0xFFFFD800  }
0x31: {  	[bflag:$0x0] =	sbarrier.arrive $0xFFFF  }
0x32: {  	[tilespmem:s14], [sflag:$0x8] =	stream.linear.gather [hbm4b:s7+s3], $0x400, $0x38;
	[tilespmem:$0x1FC00] =	vst v63  }
0x33: {  	_ =	swait.ge [sflag:s13], $0x400  }
0x34: {  	[sflag:s13] =	ssyncset.done $0x0  }
0x35: {  	[sflag:s13] =	ssyncadd.s32 $0xFFFFFC00  }
0x36: {  	[tilespmem:s16], [sflag:$0x1] =	stream.indirect.gather [hbm4b:s4+s15], $0x80, s14, s15, $0xb8;
	[tilespmem:$0x1FC00] =	vst v63  }
0x37: {  	s30 =	simm.s32 $0x14100  }
0x38: {  	[tilespmem:s18], [sflag:$0x2] =	stream.indirect.gather [hbm4b:s4+s15], $0x80, s30, s15, $0xb8;
	[tilespmem:$0x1FC00] =	vst v63  }
0x39: {  	_ =	swait.ge [sflag:s19], $0x3C00  }
0x3a: {  	[sflag:s19] =	ssyncset.done $0x0  }
0x3b: {  	s5 =	simm.s32 $0x14080;
	[sflag:s19] =	ssyncadd.s32 $0xFFFFC400  }
0x3c: {  	[spmem:s2] =	stream.indirect.scatter.add.f32 [tilespmem:s16], [sflag:$0x4], $0x80, s5, s15, $0xb8;
	[tilespmem:$0x1FC00] =	vst v63  }
0x3d: {  	_ = 	snop  }
0x3e: {  	[tilespmem:s21], [sflag:$0x7] =	stream.linear.gather [hbm4b:s10+s3], $0x400, $0x38;
	[tilespmem:$0x1FC00] =	vst v63  }
0x3f: {  	s11 =	simm.s32 $0x14200  }
0x40: {  	[tilespmem:s23], [sflag:$0x3] =	stream.indirect.gather [hbm4b:s4+s15], $0x80, s11, s15, $0xb8;
	[tilespmem:$0x1FC00] =	vst v63  }
0x41: {  	_ =	swait.ge [sflag:s24], $0x3C00  }
0x42: {  	[sflag:s24] =	ssyncset.done $0x0  }
0x43: {  	s20 =	simm.s32 $0x14180;
	[sflag:s24] =	ssyncadd.s32 $0xFFFFC400  }
0x44: {  	[spmem:s2] =	stream.indirect.scatter.add.f32 [tilespmem:s18], [sflag:$0x5], $0x80, s20, s15, $0xb8;
	[tilespmem:$0x1FC00] =	vst v63  }
0x45: {  	_ =	swait.ge [sflag:s26], $0x3C00  }
0x46: {  	[sflag:s26] =	ssyncset.done $0x0  }
0x47: {  	[sflag:s26] =	ssyncadd.s32 $0xFFFFC400  }
0x48: {  	_ =	swait.ge [sflag:s28], $0x400  }
0x49: {  	[sflag:s28] =	ssyncset.done $0x0  }
0x4a: {  	[sflag:s28] =	ssyncadd.s32 $0xFFFFFC00  }
0x4b: {  	[tilespmem:s16], [sflag:$0x1] =	stream.indirect.gather [hbm4b:s4+s15], $0x80, s21, s15, $0xb8;
	[tilespmem:$0x1FC00] =	vst v63  }
0x4c: {  	_ =	swait.ge [sflag:s29], $0x3C00  }
0x4d: {  	[sflag:s29] =	ssyncset.done $0x0  }
0x4e: {  	s25 =	simm.s32 $0x14280;
	[sflag:s29] =	ssyncadd.s32 $0xFFFFC400  }
0x4f: {  	[spmem:s2] =	stream.indirect.scatter.add.f32 [tilespmem:s23], [sflag:$0x6], $0x80, s25, s15, $0xb8;
	[tilespmem:$0x1FC00] =	vst v63  }
0x50: {  	_ =	swait.ge [sflag:s31], $0x3C00  }
0x51: {  	s30 =	simm.s32 $0x14500;
	[sflag:s31] =	ssyncset.done $0x0  }
0x52: {  	s11 =	smov.u32 s22;
	s20 =	simm.s32 $0x2000;
	[sflag:s31] =	ssyncadd.s32 $0xFFFFC400  }
0x53: {  	[tilespmem:s18], [sflag:$0x2] =	stream.indirect.gather [hbm4b:s4+s15], $0x80, s30, s15, $0xb8;
	[tilespmem:$0x1FC00] =	vst v63  }
.LBB2_2:
0x54: {  	s25 =	sadd.s32 $0xFFFFF000, s20  }
0x55: {  	_ =	swait.ge [sflag:s19], $0x3C00;
	s25 =	sand.u32 $0x1000, s25  }
0x56: {  	p0 =	sne.s32 s20, $0x1C000;
	[sflag:s19] =	ssyncset.done $0x0;
	s25 =	sshrl.u32 s25, $0x2  }
.Ltmp2:
0x57: {  	[sflag:s19] =	ssyncadd.s32 $0xFFFFC400;
	s30 =	sor.u32 $0x14080, s25;
	(pc) =	sbr.rel @!p0 .LBB2_3-.Ltmp2, $4  }
0x58: {  	[spmem:s2] =	stream.indirect.scatter.add.f32 [tilespmem:s16], [sflag:$0x4], $0x80, s30, s15, $0xb8;
	[tilespmem:$0x1FC00] =	vst v63  }
0x59: {  	_ =	swait.ge [sflag:s0], $0x3C00  }
0x5a: {  	[sflag:s0] =	ssyncset.done $0x0  }
0x5b: {  	[sflag:s0] =	ssyncadd.s32 $0xFFFFC400  }
0x5c: {  	s30 =	sshrl.u32 s20, $0x2  }
0x5d: {  	s30 =	sand.u32 $0x400, s30  }
0x5e: {  	s1 =	sor.u32 $0x14000, s30  }
0x5f: {  	[tilespmem:s1], [sflag:$0x7] =	stream.linear.gather [hbm4b:s11+s3], $0x400, $0x38;
	[tilespmem:$0x1FC00] =	vst v63  }
0x60: {  	s5 =	sadd.s32 $0x14200, s25  }
0x61: {  	[tilespmem:s23], [sflag:$0x3] =	stream.indirect.gather [hbm4b:s4+s15], $0x80, s5, s15, $0xb8;
	[tilespmem:$0x1FC00] =	vst v63  }
0x62: {  	_ =	swait.ge [sflag:s24], $0x3C00  }
0x63: {  	[sflag:s24] =	ssyncset.done $0x0  }
0x64: {  	s5 =	sadd.s32 $0x14180, s25;
	[sflag:s24] =	ssyncadd.s32 $0xFFFFC400  }
0x65: {  	[spmem:s2] =	stream.indirect.scatter.add.f32 [tilespmem:s18], [sflag:$0x5], $0x80, s5, s15, $0xb8;
	[tilespmem:$0x1FC00] =	vst v63  }
0x66: {  	_ =	swait.ge [sflag:s26], $0x3C00  }
0x67: {  	[sflag:s26] =	ssyncset.done $0x0  }
0x68: {  	[sflag:s26] =	ssyncadd.s32 $0xFFFFC400  }
0x69: {  	_ =	swait.ge [sflag:s28], $0x400  }
0x6a: {  	[sflag:s28] =	ssyncset.done $0x0  }
0x6b: {  	[sflag:s28] =	ssyncadd.s32 $0xFFFFFC00  }
0x6c: {  	[tilespmem:s16], [sflag:$0x1] =	stream.indirect.gather [hbm4b:s4+s15], $0x80, s1, s15, $0xb8;
	[tilespmem:$0x1FC00] =	vst v63  }
0x6d: {  	_ =	swait.ge [sflag:s29], $0x3C00  }
0x6e: {  	s20 =	sadd.s32 $0x1000, s20;
	[sflag:s29] =	ssyncset.done $0x0  }
0x6f: {  	p0 =	sne.s32 s20, $0x1D000;
	s25 =	sadd.s32 $0x14280, s25;
	[sflag:s29] =	ssyncadd.s32 $0xFFFFC400  }
0x70: {  	[spmem:s2] =	stream.indirect.scatter.add.f32 [tilespmem:s23], [sflag:$0x6], $0x80, s25, s15, $0xb8;
	[tilespmem:$0x1FC00] =	vst v63  }
.Ltmp3:
0x71: {  	_ = 	snop;
	(pc) =	sbr.rel @p0 .LBB2_2-.Ltmp3, $4  }
.Ltmp4:
0x72: {  	_ =	swait.ge [sflag:s31], $0x3C00;
	(pc) =	sbr.rel @!p0 .LBB2_5-.Ltmp4, $4  }
0x73: {  	[sflag:s31] =	ssyncset.done $0x0  }
0x74: {  	s30 =	sor.u32 $0x14100, s30;
	s11 =	sadd.s32 $0x80, s11;
	[sflag:s31] =	ssyncadd.s32 $0xFFFFC400  }
0x75: {  	[tilespmem:s18], [sflag:$0x2] =	stream.indirect.gather [hbm4b:s4+s15], $0x80, s30, s15, $0xb8;
	[tilespmem:$0x1FC00] =	vst v63  }
0x76: {  	_ = 	snop  }
.LBB2_6:
0x77: {  	_ =	sfence.sel $0x180000  }
0x78: {  	[bflag:$0x0] =	sbarrier.arrive $0xFFFF  }
0x79: {  	_ =	strace $0x9000004A  }
0x7a: {  	s0 =	stileid.u32;
	[bflag:$0x2] =	sbarrier.arrive $0xFFFF  }
0x7b: {  	p0 =	sne.s32 s0, $0x0;
	s0 =	rddreg [dreg:$0x3]  }
0x7c: {  	s0 =	sadd.s32 @!p0 $0x100000, s0  }
0x7d: {  	[sflag:s0] =	ssyncadd.tile.s32 @!p0 $0x1;
	_ =	shalt  }
.Lfunc_end2:
_tile_overlayer_lowered:
.L_overlay_start_2:
0x7e: {  	(tag) =	ssettag $0x2  }
0x7f: {  	s0 =	rddreg [dreg:$0x0];
	s2 =	stileid.u32  }
0x80: {  	s1 =	rddreg [dreg:$0x1];
	p0 =	sne.s32 s2, $0x0  }
0x81: {  	s3 =	rddreg [dreg:$0x2];
	[bflag:$0x3] =	sbarrier.arrive $0xFFFF;
	s2 =	simm.s32 @!p0 $0x1C08  }
0x82: {  	[timem:s3], [sflag:s2] =	dma.local @!p0 [hbm:s0], s1  }
0x83: {  	s0 =	simm.s32 @!p0 $0x8  }
0x84: {  	_ =	swait.ge @!p0 [sflag:s0], s1  }
0x85: {  	s1 =	ssub.s32 @!p0 $0x0, s1;
	[sflag:s0] =	ssyncset.done @!p0 $0x0  }
0x86: {  	[sflag:s0] =	ssyncadd.s32 @!p0 s1  }
0x87: {  	[bflag:$0x3] =	sbarrier.arrive $0xFFFF  }
0x88: {  	_ =	shalt  }

// kernel: kernel.14.cloned.1.call-start
scs
__scs_entry_jumppad:
0x0: {  	(pc) =	sbr.rel $0x88, $3  }
0x1: {  	(tag) =	ssettag $0x0;
	lr =	simm.s32 $0x1  }
0x2: {  	[smem:$0x3F99] =	sst lr;
	_ =	strace $0xD0000000  }
0x3: {  	_ = 	snop  }
0x4: {  	_ = 	snop  }
0x5: {  	_ = 	snop  }
0x6: {  	_ = 	snop  }
0x7: {  	_ = 	snop  }
__scs_overlays_trampoline_lowered:
0x8: {  	[smem:$0x3FA8] =	sst s0  }
0x9: {  	[smem:$0x3FA9] =	sst s1  }
0xa: {  	[smem:$0x3FAA] =	sst s2  }
0xb: {  	[smem:$0x3FAB] =	sst s3  }
0xc: {  	[smem:$0x3FAC] =	sst s4  }
0xd: {  	[smem:$0x3FAD] =	sst s5  }
0xe: {  	[smem:$0x3FAE] =	sst s6  }
0xf: {  	[smem:$0x3FAF] =	sst s7  }
0x10: {  	[smem:$0x3FB0] =	sst s8  }
0x11: {  	[smem:$0x3FB1] =	sst s9;
	s0 =	simm.s32 @!p0 $0x0  }
0x12: {  	s1 =	sld [smem:$0x3F97];
	s0 =	simm.s32 @p0 $0x1  }
0x13: {  	[smem:$0x3FB2] =	sst s0;
	s0 =	simm.s32 @!p1 $0x0  }
0x14: {  	s2 =	sld [smem:$0x3F96];
	s0 =	simm.s32 @p1 $0x1  }
0x15: {  	[smem:$0x3FB3] =	sst s0;
	s0 =	simm.s32 @!p2 $0x0  }
0x16: {  	s3 =	sld [smem:$0x3FDB];
	s0 =	simm.s32 @p2 $0x1  }
0x17: {  	s4 =	simm.s32 $0x1BF5;
	[smem:$0x3FB5] =	sst s0  }
0x18: {  	s0 =	sld [smem:$0x3F98];
	_ =	swait.ge [sflag:s4], $0x0  }
0x19: {  	s7 =	sld [smem:$0x3F99]  }
0x1a: {  	s8 =	sadd.s32 $0xFFFFE003, lr  }
0x1b: {  	s9 =	sadd.s32 $0xFFFFFEF7, lr;
	s5 =	simm.s32 $0xFFFFFFFF;
	p2 =	slt.u32 s8, $0xFFFFF086  }
0x1c: {  	p1 =	slt.u32 s9, $0xF7A;
	s5 =	simm.s32 @!p2 $0x0  }
0x1d: {  	s5 =	simm.s32 @p1 $0x1;
	p0 =	seq.s32 s7, s2  }
0x1e: {  	s7 =	smul.u32 @!p0 $0xF7A, s2;
	p2 =	seq.s32 @!p0 s5, $0x0  }
0x1f: {  	s9 =	smul.u32 $0xF7A, s1;
	s8 =	simm.s32 @!p0 $0x1BF5;
	p2 =	por !p2, p0  }
0x20: {  	[sflag:s8] =	ssyncset.s32 @!p0 $0xFFFFF086;
	s6 =	sadd.s32 @!p0 s3, s7;
	s7 =	simm.s32 @!p0 $0x108  }
0x21: {  	s3 =	sadd.s32 s3, s9;
	s6 =	sadd.s32 @!p0 $0x88, s6;
	s7 =	simm.s32 @p2 $0x1082  }
0x22: {  	[simem:s7], [sflag:s8] =	dma.local @!p0 [hbm:s6], $0xF7A  }
0x23: {  	s9 =	sor.u32 $0xD0000000, s2;
	s6 =	simm.s32 $0x108;
	_ =	swait.ge @!p0 [sflag:s8], $0x0  }
0x24: {  	s3 =	sadd.s32 $0x88, s3;
	s6 =	simm.s32 @!p1 $0x1082;
	[sflag:s4] =	ssyncset.s32 $0xFFFFF086  }
0x25: {  	[simem:s6], [sflag:s4] =	dma.local [hbm:s3], $0xF7A  }
0x26: {  	[smem:$0x3F99] =	sst s1;
	(tag) =	ssettag s2;
	_ =	strace s9  }
0x27: {  	s1 =	sld [smem:$0x3FA9]  }
0x28: {  	s2 =	sld [smem:$0x3FAA]  }
0x29: {  	s4 =	sld [smem:$0x3FAC]  }
0x2a: {  	p0 =	seq.s32 s5, $0x0;
	s5 =	sld [smem:$0x3FAD]  }
0x2b: {  	s6 =	sld [smem:$0x3FAE]  }
0x2c: {  	s7 =	sld [smem:$0x3FAF]  }
0x2d: {  	s3 =	simm.s32 $0x108;
	s8 =	sld [smem:$0x3FB0]  }
0x2e: {  	s3 =	simm.s32 @!p0 $0x1082;
	s9 =	sld [smem:$0x3FB1]  }
0x2f: {  	lr =	sadd.s32 s0, s3;
	s0 =	sld [smem:$0x3FA8]  }
0x30: {  	s3 =	sld [smem:$0x3FAB]  }
0x31: {  	[smem:$0x3FB4] =	sst s10  }
0x32: {  	s10 =	sld [smem:$0x3FB2];
	_ =	sdelay $0x3  }
0x33: {  	p0 =	seq.s32 s10, $0x1;
	s10 =	sld [smem:$0x3FB4];
	_ =	sdelay $0x3  }
0x34: {  	[smem:$0x3FB4] =	sst s10  }
0x35: {  	s10 =	sld [smem:$0x3FB3];
	_ =	sdelay $0x3  }
0x36: {  	p1 =	seq.s32 s10, $0x1;
	s10 =	sld [smem:$0x3FB4];
	_ =	sdelay $0x3  }
0x37: {  	[smem:$0x3FB4] =	sst s10  }
0x38: {  	s10 =	sld [smem:$0x3FB5]  }
0x39: {  	_ = 	snop;
	(pc) =	sbr.ind lr, $3  }
0x3a: {  	_ = 	snop  }
0x3b: {  	_ = 	snop  }
0x3c: {  	p2 =	seq.s32 s10, $0x1;
	s10 =	sld [smem:$0x3FB4]  }
0x3d: {  	_ =	shalt  }
0x3e: {  	_ =	shalt  }
0x3f: {  	_ =	shalt  }
0x40: {  	_ =	shalt  }
0x41: {  	_ =	shalt  }
0x42: {  	_ =	shalt  }
0x43: {  	_ =	shalt  }
0x44: {  	_ =	shalt  }
0x45: {  	_ =	shalt  }
0x46: {  	_ =	shalt  }
0x47: {  	_ =	shalt  }
0x48: {  	_ =	shalt  }
0x49: {  	_ =	shalt  }
0x4a: {  	_ =	shalt  }
0x4b: {  	_ =	shalt  }
0x4c: {  	_ =	shalt  }
0x4d: {  	_ =	shalt  }
0x4e: {  	_ =	shalt  }
0x4f: {  	_ =	shalt  }
0x50: {  	_ =	shalt  }
0x51: {  	_ =	shalt  }
0x52: {  	_ =	shalt  }
0x53: {  	_ =	shalt  }
0x54: {  	_ =	shalt  }
0x55: {  	_ =	shalt  }
0x56: {  	_ =	shalt  }
0x57: {  	_ =	shalt  }
0x58: {  	_ =	shalt  }
0x59: {  	_ =	shalt  }
0x5a: {  	_ =	shalt  }
0x5b: {  	_ =	shalt  }
0x5c: {  	_ =	shalt  }
0x5d: {  	_ =	shalt  }
0x5e: {  	_ =	shalt  }
0x5f: {  	_ =	shalt  }
0x60: {  	_ =	shalt  }
0x61: {  	_ =	shalt  }
0x62: {  	_ =	shalt  }
0x63: {  	_ =	shalt  }
0x64: {  	_ =	shalt  }
0x65: {  	_ =	shalt  }
0x66: {  	_ =	shalt  }
0x67: {  	_ =	shalt  }
0x68: {  	_ =	shalt  }
0x69: {  	_ =	shalt  }
0x6a: {  	_ =	shalt  }
0x6b: {  	_ =	shalt  }
0x6c: {  	_ =	shalt  }
0x6d: {  	_ =	shalt  }
0x6e: {  	_ =	shalt  }
0x6f: {  	_ =	shalt  }
0x70: {  	_ =	shalt  }
0x71: {  	_ =	shalt  }
0x72: {  	_ =	shalt  }
0x73: {  	_ =	shalt  }
0x74: {  	_ =	shalt  }
0x75: {  	_ =	shalt  }
0x76: {  	_ =	shalt  }
0x77: {  	_ =	shalt  }
0x78: {  	_ =	shalt  }
0x79: {  	_ =	shalt  }
0x7a: {  	_ =	shalt  }
0x7b: {  	_ =	shalt  }
0x7c: {  	_ =	shalt  }
0x7d: {  	_ =	shalt  }
0x7e: {  	_ =	shalt  }
0x7f: {  	_ =	shalt  }
0x80: {  	_ =	shalt  }
0x81: {  	_ =	shalt  }
0x82: {  	_ =	shalt  }
0x83: {  	_ =	shalt  }
0x84: {  	_ =	shalt  }
0x85: {  	_ =	shalt  }
0x86: {  	_ =	shalt  }
0x87: {  	_ =	shalt  }
.Lfunc_end0:
.L_simem_size_0:
called_computation.2_lowered:
.L_overlay_start_0:
0x88: {  	s2 =	sld [smem:$0x3FD9]  }
0x89: {  	s3 =	sld [smem:$0x3FFE];
	_ =	sdelay $0x1  }
0x8a: {  	s1 =	srdreg.scid  }
0x8b: {  	s0 =	sand.u32 $0x1, s1  }
0x8c: {  	s14 =	sshll.u32 s0, $0xA;
	s2 =	sadd.s32 s3, s2  }
0x8d: {  	s2 =	sadd.s32 s2, s14  }
0x8e: {  	[smem:$0x3FC0] =	sst s2  }
0x8f: {  	_ = 	snop  }
0x90: {  	s2 =	sld [smem:$0x3FD0];
	_ =	sdelay $0x2  }
0x91: {  	s15 =	simm.s32 $0xA;
	s4 =	simm.s32 $0x10  }
0x92: {  	[smem:s4], [sflag:s15] =	dma.local [hbm:s2], $0x1  }
0x93: {  	_ =	swait.eq [sflag:s15], $0x1  }
0x94: {  	[sflag:s15] =	ssyncset.done $0x0  }
0x95: {  	[sflag:s15] =	ssyncadd.s32 $0xFFFFFFFF  }
0x96: {  	s16 =	sld [smem:$0x11];
	(tm) =	ssettm $0x1  }
0x97: {  	s17 =	sld [smem:$0x3FFB];
	_ =	sdelay $0x3  }
0x98: {  	_ =	strace s17  }
0x99: {  	s3 =	sld [smem:$0x3FFC];
	_ =	sdelay $0x3  }
0x9a: {  	_ =	strace s3  }
0x9b: {  	s3 =	sld [smem:$0x3FFD];
	_ =	sdelay $0x3  }
0x9c: {  	_ =	strace s3  }
0x9d: {  	_ =	strace $0x8FFFFFFF  }
0x9e: {  	s18 =	sld [smem:$0x3FDB];
	_ =	sdelay $0x1  }
0x9f: {  	s19 =	simm.s32 $_scs_section_size  }
0xa0: {  	s5 =	simm.s32 $_size__tile_overlayer_lowered;
	s6 =	simm.s32 $_tile_overlayer_lowered  }
0xa1: {  	s22 =	simm.s32 $0x1BFF;
	s21 =	sshll.u32 s6, $0x1;
	s3 =	sadd.s32 s19, s18  }
0xa2: {  	s7 =	simm.s32 $0x0;
	s20 =	sshll.u32 s5, $0x1;
	s5 =	sadd.s32 s21, s3  }
0xa3: {  	[timem:s7], [sflag:s22] =	dma.local [hbm:s5], s20  }
0xa4: {  	_ =	swait.ge [sflag:s22], s20  }
0xa5: {  	s4 =	ssub.s32 $0x0, s20;
	[sflag:s22] =	ssyncset.done $0x0  }
0xa6: {  	[sflag:s22] =	ssyncadd.s32 s4;
	_ =	sdelay $0x1  }
0xa7: {  	s23 =	simm.s32 $0x1B8B  }
0xa8: {  	_ =	swait.ge [sflag:s23], $0x1  }
0xa9: {  	[sflag:s23] =	ssyncset.done $0x0  }
0xaa: {  	s25 =	simm.s32 $0x1B8E;
	s24 =	sld [smem:$0x3FFE];
	[sflag:s23] =	ssyncadd.s32 $0xFFFFFFFF  }
0xab: {  	s26 =	simm.s32 $execute0_lowered;
	[smem:$0x3FD2] =	sst s25  }
0xac: {  	s5 =	sshll.u32 s26, $0x1;
	_ =	strace $0x8000004C;
	[dreg:$0x1] =	wrdreg $0xFFFFFFFF  }
0xad: {  	s28 =	simm.s32 $_size_execute0_lowered;
	s3 =	sadd.s32 s3, s5;
	[dreg:$0x0] =	wrdreg $0x0  }
0xae: {  	s5 =	sshll.u32 s28, $0x1;
	[dreg:$0x2] =	wrdreg s3  }
0xaf: {  	[dreg:$0x3] =	wrdreg s5  }
0xb0: {  	[dreg:$0x4] =	wrdreg $0xC0  }
0xb1: {  	_ =	task [dreg:s7], $0x5FFFF  }
0xb2: {  	[dreg:$0x1] =	wrdreg $0xFFFFFFFF  }
0xb3: {  	[dreg:$0x0] =	wrdreg $0x60  }
0xb4: {  	[dreg:$0x2] =	wrdreg s24  }
0xb5: {  	[dreg:$0x3] =	wrdreg s16  }
0xb6: {  	[dreg:$0x4] =	wrdreg $0x0  }
0xb7: {  	[dreg:$0x5] =	wrdreg $0x9  }
0xb8: {  	_ =	task.clear_ibuf [dreg:s7], $0x6FFFF;
	_ =	strace $0x9000004C  }
0xb9: {  	s29 =	simm.s32 $0x9;
	_ =	strace $0x8000004E  }
0xba: {  	_ =	swait.ge [sflag:s29], $0x1  }
0xbb: {  	[sflag:s29] =	ssyncadd.s32 $0xFFFFFFFF  }
0xbc: {  	_ =	strace $0x9000004E  }
0xbd: {  	_ =	sfence  }
0xbe: {  	s30 =	sld [smem:$0x0];
	_ =	sdelay $0x2  }
0xbf: {  	s31 =	sshll.u32 s1, $0xD;
	s1 =	sshrl.u32 s1, $0x2  }
0xc0: {  	s3 =	sand.u32 $0x4000, s31;
	s1 =	sadd.s32 s1, s30  }
0xc1: {  	s0 =	sor.u32 s3, s0;
	s1 =	sshll.u32 s1, $0x11  }
0xc2: {  	s0 =	sor.u32 s1, s0  }
0xc3: {  	s0 =	sadd.s32 $0x8F2B, s0  }
0xc4: {  	[sflag:s0] =	ssyncadd.remote.s32 $0x1  }
0xc5: {  	_ =	sfence.sel $0xFFFF  }
0xc6: {  	[dreg:$0x0] =	wrdreg $0xFFFFFFFF;
	(pc) =	sbr.abs _section_cstart, $3  }
0xc7: {  	[dreg:$0x1] =	wrdreg $0xFFFFFFFF  }
0xc8: {  	_ =	task.clear_ibuf [dreg:s7], $0x2FFFF;
	_ =	strace $0x9FFFFFFF  }
0xc9: {  	(tm) =	ssettm $0x7FFFFFFF  }
tec
execute0_lowered:
.L_overlay_start_1:
0x0: {  	(tag) =	ssettag $0x1  }
0x1: {  	s0 =	rddreg [dreg:$0x0];
	s1 =	srdreg.scid  }
0x2: {  	s13 =	stileid.u32;
	s8 =	rddreg [dreg:$0x1]  }
0x3: {  	s2 =	rddreg [dreg:$0x2];
	s3 =	simm.s32 $0x0;
	s14 =	simm.s32 $0x14000  }
0x4: {  	s15 =	simm.s32 $0x78;
	s16 =	simm.s32 $0x14800;
	s18 =	simm.s32 $0x18400  }
0x5: {  	s19 =	simm.s32 $0x1;
	s21 =	simm.s32 $0x14400;
	s28 =	simm.s32 $0x7  }
0x6: {  	s29 =	simm.s32 $0x3;
	s31 =	simm.s32 $0x5;
	s5 =	smul.u32 $0x14000, s13  }
0x7: {  	s17 =	simm.s32 $0x0;
	s1 =	sand.u32 $0x1, s1;
	s10 =	smul.u32 $0x50000, s13  }
0x8: {  	[smem:$0x7FF] =	sst s3;
	s25 =	sshll.u32 s13, $0x6;
	s26 =	smul.u32 $0xE00, s13  }
0x9: {  	s4 =	smul.u32 $0x140000, s1;
	_ =	strace $0x8000004D;
	s7 =	ssub.s32 $0x2, s1  }
0xa: {  	s9 =	sshll.u32 s1, $0x4;
	s1 =	smul.u32 $0xE000, s1;
	s22 =	sshrl.u32 s7, $0x1  }
0xb: {  	s9 =	sor.u32 s13, s9;
	s23 =	sshrl.u32 s10, $0x2;
	s13 =	simm.s32 $0x8  }
0xc: {  	s6 =	sadd.s32 s5, s4;
	s4 =	sadd.s32 $0x3400, s0;
	s11 =	ssub.s32 s7, s22  }
0xd: {  	s24 =	smul.u32 $0xE00, s9;
	s12 =	sadd.s32 s23, s2;
	s5 =	sshrl.u32 s5, $0x3  }
0xe: {  	s1 =	sadd.s32 s1, s8;
	s23 =	simm.s32 $0x1C000;
	s6 =	sshrl.u32 s6, $0x3  }
.Ltmp0:
0xf: {  	s5 =	sadd.s32 s4, s5;
	s9 =	smax.u32 s11, $0x1;
	(pc) =	sbr.rel .LBB2_1-.Ltmp0, $4  }
0x10: {  	s30 =	sadd.s32 s26, s1;
	s12 =	sshrl.u32 s12, $0x3;
	s26 =	simm.s32 $0x4  }
0x11: {  	s0 =	sadd.s32 s6, s0;
	[dreg:$0x4] =	wrdreg s5;
	s6 =	sor.u32 $0x1C08, s25  }
0x12: {  	s7 =	sadd.s32 s8, s24;
	s22 =	sadd.s32 $0x100, s30;
	s24 =	simm.s32 $0x2  }
0x13: {  	s8 =	sadd.s32 $0x2B400, s0;
	s10 =	sadd.s32 $0x80, s7;
	s0 =	simm.s32 $0x6  }
.LBB2_3:
0x14: {  	s11 =	sadd.s32 $0x14200, s25  }
0x15: {  	[tilespmem:s23], [sflag:$0x3] =	stream.indirect.gather [hbm4b:s4+s15], $0x80, s11, s15, $0xb8;
	[tilespmem:$0x1FC00] =	vst v63  }
0x16: {  	_ =	swait.ge [sflag:s24], $0x3C00  }
0x17: {  	[sflag:s24] =	ssyncset.done $0x0  }
0x18: {  	s20 =	sadd.s32 $0x14180, s25;
	[sflag:s24] =	ssyncadd.s32 $0xFFFFC400  }
0x19: {  	[spmem:s2] =	stream.indirect.scatter.add.f32 [tilespmem:s18], [sflag:$0x5], $0x80, s20, s15, $0xb8;
	[tilespmem:$0x1FC00] =	vst v63  }
0x1a: {  	_ =	swait.ge [sflag:s26], $0x3C00  }
0x1b: {  	[sflag:s26] =	ssyncset.done $0x0  }
0x1c: {  	[sflag:s26] =	ssyncadd.s32 $0xFFFFC400  }
0x1d: {  	_ =	swait.ge [sflag:s29], $0x3C00  }
0x1e: {  	[sflag:s29] =	ssyncset.done $0x0  }
0x1f: {  	s30 =	sadd.s32 $0x14280, s25;
	[sflag:s29] =	ssyncadd.s32 $0xFFFFC400  }
0x20: {  	[spmem:s2] =	stream.indirect.scatter.add.f32 [tilespmem:s23], [sflag:$0x6], $0x80, s30, s15, $0xb8;
	[tilespmem:$0x1FC00] =	vst v63  }
0x21: {  	_ =	swait.ge [sflag:s31], $0x3C00  }
0x22: {  	[sflag:s31] =	ssyncset.done $0x0  }
0x23: {  	[sflag:s31] =	ssyncadd.s32 $0xFFFFC400  }
.LBB2_5:
0x24: {  	_ =	swait.ge [sflag:s0], $0x3C00  }
0x25: {  	s17 =	sadd.s32 $0x1, s17;
	[sflag:s0] =	ssyncset.done $0x0  }
0x26: {  	p0 =	sne.s32 s17, s9;
	[sflag:s0] =	ssyncadd.s32 $0xFFFFC400  }
.Ltmp1:
0x27: {  	[bflag:$0x0] =	sbarrier.arrive $0xFFFF;
	(pc) =	sbr.rel @!p0 .LBB2_6-.Ltmp1, $4  }
0x28: {  	[hbm:s8], [sflag:s6] =	dma.local [spmem:s12], $0x2800  }
0x29: {  	_ =	swait.ge [sflag:s13], $0x2800  }
0x2a: {  	[sflag:s13] =	ssyncset.done $0x0  }
0x2b: {  	[sflag:s13] =	ssyncadd.s32 $0xFFFFD800  }
.LBB2_1:
0x2c: {  	s1 =	rddreg [dreg:$0x4]  }
0x2d: {  	[spmem:s12], [sflag:s6] =	dma.local [hbm:s1], $0x2800  }
0x2e: {  	_ =	swait.ge [sflag:s13], $0x2800  }
0x2f: {  	[sflag:s13] =	ssyncset.done $0x0  }
0x30: {  	[sflag:s13] =	ssyncadd.s32 $0xFFFFD800  }
0x31: {  	[bflag:$0x0] =	sbarrier.arrive $0xFFFF  }
0x32: {  	[tilespmem:s14], [sflag:$0x8] =	stream.linear.gather [hbm4b:s7+s3], $0x400, $0x38;
	[tilespmem:$0x1FC00] =	vst v63  }
0x33: {  	_ =	swait.ge [sflag:s13], $0x400  }
0x34: {  	[sflag:s13] =	ssyncset.done $0x0  }
0x35: {  	[sflag:s13] =	ssyncadd.s32 $0xFFFFFC00  }
0x36: {  	[tilespmem:s16], [sflag:$0x1] =	stream.indirect.gather [hbm4b:s4+s15], $0x80, s14, s15, $0xb8;
	[tilespmem:$0x1FC00] =	vst v63  }
0x37: {  	s30 =	simm.s32 $0x14100  }
0x38: {  	[tilespmem:s18], [sflag:$0x2] =	stream.indirect.gather [hbm4b:s4+s15], $0x80, s30, s15, $0xb8;
	[tilespmem:$0x1FC00] =	vst v63  }
0x39: {  	_ =	swait.ge [sflag:s19], $0x3C00  }
0x3a: {  	[sflag:s19] =	ssyncset.done $0x0  }
0x3b: {  	s5 =	simm.s32 $0x14080;
	[sflag:s19] =	ssyncadd.s32 $0xFFFFC400  }
0x3c: {  	[spmem:s2] =	stream.indirect.scatter.add.f32 [tilespmem:s16], [sflag:$0x4], $0x80, s5, s15, $0xb8;
	[tilespmem:$0x1FC00] =	vst v63  }
0x3d: {  	_ = 	snop  }
0x3e: {  	[tilespmem:s21], [sflag:$0x7] =	stream.linear.gather [hbm4b:s10+s3], $0x400, $0x38;
	[tilespmem:$0x1FC00] =	vst v63  }
0x3f: {  	s11 =	simm.s32 $0x14200  }
0x40: {  	[tilespmem:s23], [sflag:$0x3] =	stream.indirect.gather [hbm4b:s4+s15], $0x80, s11, s15, $0xb8;
	[tilespmem:$0x1FC00] =	vst v63  }
0x41: {  	_ =	swait.ge [sflag:s24], $0x3C00  }
0x42: {  	[sflag:s24] =	ssyncset.done $0x0  }
0x43: {  	s20 =	simm.s32 $0x14180;
	[sflag:s24] =	ssyncadd.s32 $0xFFFFC400  }
0x44: {  	[spmem:s2] =	stream.indirect.scatter.add.f32 [tilespmem:s18], [sflag:$0x5], $0x80, s20, s15, $0xb8;
	[tilespmem:$0x1FC00] =	vst v63  }
0x45: {  	_ =	swait.ge [sflag:s26], $0x3C00  }
0x46: {  	[sflag:s26] =	ssyncset.done $0x0  }
0x47: {  	[sflag:s26] =	ssyncadd.s32 $0xFFFFC400  }
0x48: {  	_ =	swait.ge [sflag:s28], $0x400  }
0x49: {  	[sflag:s28] =	ssyncset.done $0x0  }
0x4a: {  	[sflag:s28] =	ssyncadd.s32 $0xFFFFFC00  }
0x4b: {  	[tilespmem:s16], [sflag:$0x1] =	stream.indirect.gather [hbm4b:s4+s15], $0x80, s21, s15, $0xb8;
	[tilespmem:$0x1FC00] =	vst v63  }
0x4c: {  	_ =	swait.ge [sflag:s29], $0x3C00  }
0x4d: {  	[sflag:s29] =	ssyncset.done $0x0  }
0x4e: {  	s25 =	simm.s32 $0x14280;
	[sflag:s29] =	ssyncadd.s32 $0xFFFFC400  }
0x4f: {  	[spmem:s2] =	stream.indirect.scatter.add.f32 [tilespmem:s23], [sflag:$0x6], $0x80, s25, s15, $0xb8;
	[tilespmem:$0x1FC00] =	vst v63  }
0x50: {  	_ =	swait.ge [sflag:s31], $0x3C00  }
0x51: {  	s30 =	simm.s32 $0x14500;
	[sflag:s31] =	ssyncset.done $0x0  }
0x52: {  	s11 =	smov.u32 s22;
	s20 =	simm.s32 $0x2000;
	[sflag:s31] =	ssyncadd.s32 $0xFFFFC400  }
0x53: {  	[tilespmem:s18], [sflag:$0x2] =	stream.indirect.gather [hbm4b:s4+s15], $0x80, s30, s15, $0xb8;
	[tilespmem:$0x1FC00] =	vst v63  }
.LBB2_2:
0x54: {  	s25 =	sadd.s32 $0xFFFFF000, s20  }
0x55: {  	_ =	swait.ge [sflag:s19], $0x3C00;
	s25 =	sand.u32 $0x1000, s25  }
0x56: {  	p0 =	sne.s32 s20, $0x1C000;
	[sflag:s19] =	ssyncset.done $0x0;
	s25 =	sshrl.u32 s25, $0x2  }
.Ltmp2:
0x57: {  	[sflag:s19] =	ssyncadd.s32 $0xFFFFC400;
	s30 =	sor.u32 $0x14080, s25;
	(pc) =	sbr.rel @!p0 .LBB2_3-.Ltmp2, $4  }
0x58: {  	[spmem:s2] =	stream.indirect.scatter.add.f32 [tilespmem:s16], [sflag:$0x4], $0x80, s30, s15, $0xb8;
	[tilespmem:$0x1FC00] =	vst v63  }
0x59: {  	_ =	swait.ge [sflag:s0], $0x3C00  }
0x5a: {  	[sflag:s0] =	ssyncset.done $0x0  }
0x5b: {  	[sflag:s0] =	ssyncadd.s32 $0xFFFFC400  }
0x5c: {  	s30 =	sshrl.u32 s20, $0x2  }
0x5d: {  	s30 =	sand.u32 $0x400, s30  }
0x5e: {  	s1 =	sor.u32 $0x14000, s30  }
0x5f: {  	[tilespmem:s1], [sflag:$0x7] =	stream.linear.gather [hbm4b:s11+s3], $0x400, $0x38;
	[tilespmem:$0x1FC00] =	vst v63  }
0x60: {  	s5 =	sadd.s32 $0x14200, s25  }
0x61: {  	[tilespmem:s23], [sflag:$0x3] =	stream.indirect.gather [hbm4b:s4+s15], $0x80, s5, s15, $0xb8;
	[tilespmem:$0x1FC00] =	vst v63  }
0x62: {  	_ =	swait.ge [sflag:s24], $0x3C00  }
0x63: {  	[sflag:s24] =	ssyncset.done $0x0  }
0x64: {  	s5 =	sadd.s32 $0x14180, s25;
	[sflag:s24] =	ssyncadd.s32 $0xFFFFC400  }
0x65: {  	[spmem:s2] =	stream.indirect.scatter.add.f32 [tilespmem:s18], [sflag:$0x5], $0x80, s5, s15, $0xb8;
	[tilespmem:$0x1FC00] =	vst v63  }
0x66: {  	_ =	swait.ge [sflag:s26], $0x3C00  }
0x67: {  	[sflag:s26] =	ssyncset.done $0x0  }
0x68: {  	[sflag:s26] =	ssyncadd.s32 $0xFFFFC400  }
0x69: {  	_ =	swait.ge [sflag:s28], $0x400  }
0x6a: {  	[sflag:s28] =	ssyncset.done $0x0  }
0x6b: {  	[sflag:s28] =	ssyncadd.s32 $0xFFFFFC00  }
0x6c: {  	[tilespmem:s16], [sflag:$0x1] =	stream.indirect.gather [hbm4b:s4+s15], $0x80, s1, s15, $0xb8;
	[tilespmem:$0x1FC00] =	vst v63  }
0x6d: {  	_ =	swait.ge [sflag:s29], $0x3C00  }
0x6e: {  	s20 =	sadd.s32 $0x1000, s20;
	[sflag:s29] =	ssyncset.done $0x0  }
0x6f: {  	p0 =	sne.s32 s20, $0x1D000;
	s25 =	sadd.s32 $0x14280, s25;
	[sflag:s29] =	ssyncadd.s32 $0xFFFFC400  }
0x70: {  	[spmem:s2] =	stream.indirect.scatter.add.f32 [tilespmem:s23], [sflag:$0x6], $0x80, s25, s15, $0xb8;
	[tilespmem:$0x1FC00] =	vst v63  }
.Ltmp3:
0x71: {  	_ = 	snop;
	(pc) =	sbr.rel @p0 .LBB2_2-.Ltmp3, $4  }
.Ltmp4:
0x72: {  	_ =	swait.ge [sflag:s31], $0x3C00;
	(pc) =	sbr.rel @!p0 .LBB2_5-.Ltmp4, $4  }
0x73: {  	[sflag:s31] =	ssyncset.done $0x0  }
0x74: {  	s30 =	sor.u32 $0x14100, s30;
	s11 =	sadd.s32 $0x80, s11;
	[sflag:s31] =	ssyncadd.s32 $0xFFFFC400  }
0x75: {  	[tilespmem:s18], [sflag:$0x2] =	stream.indirect.gather [hbm4b:s4+s15], $0x80, s30, s15, $0xb8;
	[tilespmem:$0x1FC00] =	vst v63  }
0x76: {  	_ = 	snop  }
.LBB2_6:
0x77: {  	_ =	sfence.sel $0x180000  }
0x78: {  	[bflag:$0x0] =	sbarrier.arrive $0xFFFF  }
0x79: {  	_ =	strace $0x9000004D  }
0x7a: {  	s0 =	stileid.u32;
	[bflag:$0x2] =	sbarrier.arrive $0xFFFF  }
0x7b: {  	p0 =	sne.s32 s0, $0x0;
	s0 =	rddreg [dreg:$0x3]  }
0x7c: {  	s0 =	sadd.s32 @!p0 $0x100000, s0  }
0x7d: {  	[sflag:s0] =	ssyncadd.tile.s32 @!p0 $0x1;
	_ =	shalt  }
.Lfunc_end2:
_tile_overlayer_lowered:
.L_overlay_start_2:
0x7e: {  	(tag) =	ssettag $0x2  }
0x7f: {  	s0 =	rddreg [dreg:$0x0];
	s2 =	stileid.u32  }
0x80: {  	s1 =	rddreg [dreg:$0x1];
	p0 =	sne.s32 s2, $0x0  }
0x81: {  	s3 =	rddreg [dreg:$0x2];
	[bflag:$0x3] =	sbarrier.arrive $0xFFFF;
	s2 =	simm.s32 @!p0 $0x1C08  }
0x82: {  	[timem:s3], [sflag:s2] =	dma.local @!p0 [hbm:s0], s1  }
0x83: {  	s0 =	simm.s32 @!p0 $0x8  }
0x84: {  	_ =	swait.ge @!p0 [sflag:s0], s1  }
0x85: {  	s1 =	ssub.s32 @!p0 $0x0, s1;
	[sflag:s0] =	ssyncset.done @!p0 $0x0  }
0x86: {  	[sflag:s0] =	ssyncadd.s32 @!p0 s1  }
0x87: {  	[bflag:$0x3] =	sbarrier.arrive $0xFFFF  }
0x88: {  	_ =	shalt  }

// kernel: kernel.8.cloned.1.call-start
scs
__scs_entry_jumppad:
0x0: {  	(pc) =	sbr.rel $0x88, $3  }
0x1: {  	(tag) =	ssettag $0x0;
	lr =	simm.s32 $0x1  }
0x2: {  	[smem:$0x3F99] =	sst lr;
	_ =	strace $0xD0000000  }
0x3: {  	_ = 	snop  }
0x4: {  	_ = 	snop  }
0x5: {  	_ = 	snop  }
0x6: {  	_ = 	snop  }
0x7: {  	_ = 	snop  }
__scs_overlays_trampoline_lowered:
0x8: {  	[smem:$0x3FA8] =	sst s0  }
0x9: {  	[smem:$0x3FA9] =	sst s1  }
0xa: {  	[smem:$0x3FAA] =	sst s2  }
0xb: {  	[smem:$0x3FAB] =	sst s3  }
0xc: {  	[smem:$0x3FAC] =	sst s4  }
0xd: {  	[smem:$0x3FAD] =	sst s5  }
0xe: {  	[smem:$0x3FAE] =	sst s6  }
0xf: {  	[smem:$0x3FAF] =	sst s7  }
0x10: {  	[smem:$0x3FB0] =	sst s8  }
0x11: {  	[smem:$0x3FB1] =	sst s9;
	s0 =	simm.s32 @!p0 $0x0  }
0x12: {  	s1 =	sld [smem:$0x3F97];
	s0 =	simm.s32 @p0 $0x1  }
0x13: {  	[smem:$0x3FB2] =	sst s0;
	s0 =	simm.s32 @!p1 $0x0  }
0x14: {  	s2 =	sld [smem:$0x3F96];
	s0 =	simm.s32 @p1 $0x1  }
0x15: {  	[smem:$0x3FB3] =	sst s0;
	s0 =	simm.s32 @!p2 $0x0  }
0x16: {  	s3 =	sld [smem:$0x3FDB];
	s0 =	simm.s32 @p2 $0x1  }
0x17: {  	s4 =	simm.s32 $0x1BF5;
	[smem:$0x3FB5] =	sst s0  }
0x18: {  	s0 =	sld [smem:$0x3F98];
	_ =	swait.ge [sflag:s4], $0x0  }
0x19: {  	s7 =	sld [smem:$0x3F99]  }
0x1a: {  	s8 =	sadd.s32 $0xFFFFE003, lr  }
0x1b: {  	s9 =	sadd.s32 $0xFFFFFEF7, lr;
	s5 =	simm.s32 $0xFFFFFFFF;
	p2 =	slt.u32 s8, $0xFFFFF086  }
0x1c: {  	p1 =	slt.u32 s9, $0xF7A;
	s5 =	simm.s32 @!p2 $0x0  }
0x1d: {  	s5 =	simm.s32 @p1 $0x1;
	p0 =	seq.s32 s7, s2  }
0x1e: {  	s7 =	smul.u32 @!p0 $0xF7A, s2;
	p2 =	seq.s32 @!p0 s5, $0x0  }
0x1f: {  	s9 =	smul.u32 $0xF7A, s1;
	s8 =	simm.s32 @!p0 $0x1BF5;
	p2 =	por !p2, p0  }
0x20: {  	[sflag:s8] =	ssyncset.s32 @!p0 $0xFFFFF086;
	s6 =	sadd.s32 @!p0 s3, s7;
	s7 =	simm.s32 @!p0 $0x108  }
0x21: {  	s3 =	sadd.s32 s3, s9;
	s6 =	sadd.s32 @!p0 $0x88, s6;
	s7 =	simm.s32 @p2 $0x1082  }
0x22: {  	[simem:s7], [sflag:s8] =	dma.local @!p0 [hbm:s6], $0xF7A  }
0x23: {  	s9 =	sor.u32 $0xD0000000, s2;
	s6 =	simm.s32 $0x108;
	_ =	swait.ge @!p0 [sflag:s8], $0x0  }
0x24: {  	s3 =	sadd.s32 $0x88, s3;
	s6 =	simm.s32 @!p1 $0x1082;
	[sflag:s4] =	ssyncset.s32 $0xFFFFF086  }
0x25: {  	[simem:s6], [sflag:s4] =	dma.local [hbm:s3], $0xF7A  }
0x26: {  	[smem:$0x3F99] =	sst s1;
	(tag) =	ssettag s2;
	_ =	strace s9  }
0x27: {  	s1 =	sld [smem:$0x3FA9]  }
0x28: {  	s2 =	sld [smem:$0x3FAA]  }
0x29: {  	s4 =	sld [smem:$0x3FAC]  }
0x2a: {  	p0 =	seq.s32 s5, $0x0;
	s5 =	sld [smem:$0x3FAD]  }
0x2b: {  	s6 =	sld [smem:$0x3FAE]  }
0x2c: {  	s7 =	sld [smem:$0x3FAF]  }
0x2d: {  	s3 =	simm.s32 $0x108;
	s8 =	sld [smem:$0x3FB0]  }
0x2e: {  	s3 =	simm.s32 @!p0 $0x1082;
	s9 =	sld [smem:$0x3FB1]  }
0x2f: {  	lr =	sadd.s32 s0, s3;
	s0 =	sld [smem:$0x3FA8]  }
0x30: {  	s3 =	sld [smem:$0x3FAB]  }
0x31: {  	[smem:$0x3FB4] =	sst s10  }
0x32: {  	s10 =	sld [smem:$0x3FB2];
	_ =	sdelay $0x3  }
0x33: {  	p0 =	seq.s32 s10, $0x1;
	s10 =	sld [smem:$0x3FB4];
	_ =	sdelay $0x3  }
0x34: {  	[smem:$0x3FB4] =	sst s10  }
0x35: {  	s10 =	sld [smem:$0x3FB3];
	_ =	sdelay $0x3  }
0x36: {  	p1 =	seq.s32 s10, $0x1;
	s10 =	sld [smem:$0x3FB4];
	_ =	sdelay $0x3  }
0x37: {  	[smem:$0x3FB4] =	sst s10  }
0x38: {  	s10 =	sld [smem:$0x3FB5]  }
0x39: {  	_ = 	snop;
	(pc) =	sbr.ind lr, $3  }
0x3a: {  	_ = 	snop  }
0x3b: {  	_ = 	snop  }
0x3c: {  	p2 =	seq.s32 s10, $0x1;
	s10 =	sld [smem:$0x3FB4]  }
0x3d: {  	_ =	shalt  }
0x3e: {  	_ =	shalt  }
0x3f: {  	_ =	shalt  }
0x40: {  	_ =	shalt  }
0x41: {  	_ =	shalt  }
0x42: {  	_ =	shalt  }
0x43: {  	_ =	shalt  }
0x44: {  	_ =	shalt  }
0x45: {  	_ =	shalt  }
0x46: {  	_ =	shalt  }
0x47: {  	_ =	shalt  }
0x48: {  	_ =	shalt  }
0x49: {  	_ =	shalt  }
0x4a: {  	_ =	shalt  }
0x4b: {  	_ =	shalt  }
0x4c: {  	_ =	shalt  }
0x4d: {  	_ =	shalt  }
0x4e: {  	_ =	shalt  }
0x4f: {  	_ =	shalt  }
0x50: {  	_ =	shalt  }
0x51: {  	_ =	shalt  }
0x52: {  	_ =	shalt  }
0x53: {  	_ =	shalt  }
0x54: {  	_ =	shalt  }
0x55: {  	_ =	shalt  }
0x56: {  	_ =	shalt  }
0x57: {  	_ =	shalt  }
0x58: {  	_ =	shalt  }
0x59: {  	_ =	shalt  }
0x5a: {  	_ =	shalt  }
0x5b: {  	_ =	shalt  }
0x5c: {  	_ =	shalt  }
0x5d: {  	_ =	shalt  }
0x5e: {  	_ =	shalt  }
0x5f: {  	_ =	shalt  }
0x60: {  	_ =	shalt  }
0x61: {  	_ =	shalt  }
0x62: {  	_ =	shalt  }
0x63: {  	_ =	shalt  }
0x64: {  	_ =	shalt  }
0x65: {  	_ =	shalt  }
0x66: {  	_ =	shalt  }
0x67: {  	_ =	shalt  }
0x68: {  	_ =	shalt  }
0x69: {  	_ =	shalt  }
0x6a: {  	_ =	shalt  }
0x6b: {  	_ =	shalt  }
0x6c: {  	_ =	shalt  }
0x6d: {  	_ =	shalt  }
0x6e: {  	_ =	shalt  }
0x6f: {  	_ =	shalt  }
0x70: {  	_ =	shalt  }
0x71: {  	_ =	shalt  }
0x72: {  	_ =	shalt  }
0x73: {  	_ =	shalt  }
0x74: {  	_ =	shalt  }
0x75: {  	_ =	shalt  }
0x76: {  	_ =	shalt  }
0x77: {  	_ =	shalt  }
0x78: {  	_ =	shalt  }
0x79: {  	_ =	shalt  }
0x7a: {  	_ =	shalt  }
0x7b: {  	_ =	shalt  }
0x7c: {  	_ =	shalt  }
0x7d: {  	_ =	shalt  }
0x7e: {  	_ =	shalt  }
0x7f: {  	_ =	shalt  }
0x80: {  	_ =	shalt  }
0x81: {  	_ =	shalt  }
0x82: {  	_ =	shalt  }
0x83: {  	_ =	shalt  }
0x84: {  	_ =	shalt  }
0x85: {  	_ =	shalt  }
0x86: {  	_ =	shalt  }
0x87: {  	_ =	shalt  }
.Lfunc_end0:
.L_simem_size_0:
called_computation_lowered:
.L_overlay_start_0:
0x88: {  	s2 =	sld [smem:$0x3FD9]  }
0x89: {  	s3 =	sld [smem:$0x3FFE];
	_ =	sdelay $0x1  }
0x8a: {  	s1 =	srdreg.scid  }
0x8b: {  	s0 =	sand.u32 $0x1, s1  }
0x8c: {  	s14 =	sshll.u32 s0, $0xA;
	s2 =	sadd.s32 s3, s2  }
0x8d: {  	s2 =	sadd.s32 s2, s14  }
0x8e: {  	[smem:$0x3FC0] =	sst s2  }
0x8f: {  	_ = 	snop  }
0x90: {  	s2 =	sld [smem:$0x3FD0];
	_ =	sdelay $0x2  }
0x91: {  	s15 =	simm.s32 $0xA;
	s4 =	simm.s32 $0x10  }
0x92: {  	[smem:s4], [sflag:s15] =	dma.local [hbm:s2], $0x1  }
0x93: {  	_ =	swait.eq [sflag:s15], $0x1  }
0x94: {  	[sflag:s15] =	ssyncset.done $0x0  }
0x95: {  	[sflag:s15] =	ssyncadd.s32 $0xFFFFFFFF  }
0x96: {  	s16 =	sld [smem:$0x10];
	(tm) =	ssettm $0x1  }
0x97: {  	s17 =	sld [smem:$0x3FFB];
	_ =	sdelay $0x3  }
0x98: {  	_ =	strace s17  }
0x99: {  	s3 =	sld [smem:$0x3FFC];
	_ =	sdelay $0x3  }
0x9a: {  	_ =	strace s3  }
0x9b: {  	s3 =	sld [smem:$0x3FFD];
	_ =	sdelay $0x3  }
0x9c: {  	_ =	strace s3  }
0x9d: {  	_ =	strace $0x8FFFFFFF  }
0x9e: {  	s18 =	sld [smem:$0x3FDB];
	_ =	sdelay $0x1  }
0x9f: {  	s19 =	simm.s32 $_scs_section_size  }
0xa0: {  	s5 =	simm.s32 $_size__tile_overlayer_lowered;
	s6 =	simm.s32 $_tile_overlayer_lowered  }
0xa1: {  	s22 =	simm.s32 $0x1BFF;
	s21 =	sshll.u32 s6, $0x1;
	s3 =	sadd.s32 s19, s18  }
0xa2: {  	s7 =	simm.s32 $0x0;
	s20 =	sshll.u32 s5, $0x1;
	s5 =	sadd.s32 s21, s3  }
0xa3: {  	[timem:s7], [sflag:s22] =	dma.local [hbm:s5], s20  }
0xa4: {  	_ =	swait.ge [sflag:s22], s20  }
0xa5: {  	s4 =	ssub.s32 $0x0, s20;
	[sflag:s22] =	ssyncset.done $0x0  }
0xa6: {  	[sflag:s22] =	ssyncadd.s32 s4;
	_ =	sdelay $0x1  }
0xa7: {  	s23 =	simm.s32 $0x1B8B  }
0xa8: {  	_ =	swait.ge [sflag:s23], $0x1  }
0xa9: {  	[sflag:s23] =	ssyncset.done $0x0  }
0xaa: {  	s25 =	simm.s32 $0x1B8E;
	s24 =	sld [smem:$0x3FFE];
	[sflag:s23] =	ssyncadd.s32 $0xFFFFFFFF  }
0xab: {  	s26 =	simm.s32 $execute0_lowered;
	[smem:$0x3FD2] =	sst s25  }
0xac: {  	s5 =	sshll.u32 s26, $0x1;
	_ =	strace $0x80000046;
	[dreg:$0x1] =	wrdreg $0xFFFFFFFF  }
0xad: {  	s28 =	simm.s32 $_size_execute0_lowered;
	s3 =	sadd.s32 s3, s5;
	[dreg:$0x0] =	wrdreg $0x0  }
0xae: {  	s5 =	sshll.u32 s28, $0x1;
	[dreg:$0x2] =	wrdreg s3  }
0xaf: {  	[dreg:$0x3] =	wrdreg s5  }
0xb0: {  	[dreg:$0x4] =	wrdreg $0xC0  }
0xb1: {  	_ =	task [dreg:s7], $0x5FFFF  }
0xb2: {  	[dreg:$0x1] =	wrdreg $0xFFFFFFFF  }
0xb3: {  	[dreg:$0x0] =	wrdreg $0x60  }
0xb4: {  	[dreg:$0x2] =	wrdreg s16  }
0xb5: {  	[dreg:$0x3] =	wrdreg s24  }
0xb6: {  	[dreg:$0x4] =	wrdreg $0x0  }
0xb7: {  	[dreg:$0x5] =	wrdreg $0x9  }
0xb8: {  	_ =	task.clear_ibuf [dreg:s7], $0x6FFFF;
	_ =	strace $0x90000046  }
0xb9: {  	s29 =	simm.s32 $0x9;
	_ =	strace $0x80000048  }
0xba: {  	_ =	swait.ge [sflag:s29], $0x1  }
0xbb: {  	[sflag:s29] =	ssyncadd.s32 $0xFFFFFFFF  }
0xbc: {  	_ =	strace $0x90000048  }
0xbd: {  	_ =	sfence  }
0xbe: {  	s30 =	sld [smem:$0x0];
	_ =	sdelay $0x2  }
0xbf: {  	s31 =	sshll.u32 s1, $0xD;
	s1 =	sshrl.u32 s1, $0x2  }
0xc0: {  	s3 =	sand.u32 $0x4000, s31;
	s1 =	sadd.s32 s1, s30  }
0xc1: {  	s0 =	sor.u32 s3, s0;
	s1 =	sshll.u32 s1, $0x11  }
0xc2: {  	s0 =	sor.u32 s1, s0  }
0xc3: {  	s0 =	sadd.s32 $0x8F2B, s0  }
0xc4: {  	[sflag:s0] =	ssyncadd.remote.s32 $0x1  }
0xc5: {  	_ =	sfence.sel $0xFFFF  }
0xc6: {  	[dreg:$0x0] =	wrdreg $0xFFFFFFFF;
	(pc) =	sbr.abs _section_cstart, $3  }
0xc7: {  	[dreg:$0x1] =	wrdreg $0xFFFFFFFF  }
0xc8: {  	_ =	task.clear_ibuf [dreg:s7], $0x2FFFF;
	_ =	strace $0x9FFFFFFF  }
0xc9: {  	(tm) =	ssettm $0x7FFFFFFF  }
tec
execute0_lowered:
.L_overlay_start_1:
0x0: {  	(tag) =	ssettag $0x1  }
0x1: {  	s0 =	rddreg [dreg:$0x0]  }
0x2: {  	s2 =	rddreg [dreg:$0x1]  }
0x3: {  	s1 =	rddreg [dreg:$0x2];
	s3 =	srdreg.scid  }
0x4: {  	s6 =	simm.s32 $0x0;
	s21 =	stileid.u32;
	s14 =	simm.s32 $0xB00  }
0x5: {  	s15 =	simm.s32 $0xA;
	s16 =	simm.s32 $0x280;
	s17 =	simm.s32 $0x80  }
0x6: {  	s18 =	simm.s32 $0xA80;
	s28 =	simm.s32 $0x9;
	s29 =	simm.s32 $0x1  }
0x7: {  	s30 =	simm.s32 $0x2;
	s31 =	simm.s32 $0x3;
	s22 =	smul.u32 $0x500, s21  }
0x8: {  	s19 =	simm.s32 $0x6;
	s20 =	simm.s32 $0x7;
	s8 =	smul.u32 $0xA00, s21  }
0x9: {  	s4 =	sand.u32 $0x1, s3;
	[smem:$0x7FF] =	sst s6;
	s24 =	smul.u32 $0xA, s21  }
0xa: {  	s5 =	sshll.u32 s4, $0x4;
	_ =	strace $0x80000047;
	s7 =	sshll.u32 s4, $0x7  }
0xb: {  	s23 =	ssub.s32 $0x2, s4;
	s10 =	smul.u32 $0xA0, s4;
	s5 =	sor.u32 s21, s5  }
0xc: {  	s6 =	sor.u32 s7, s22;
	s9 =	sshrl.u32 s23, $0x1;
	s25 =	sshrl.u32 s8, $0x2  }
0xd: {  	s21 =	simm.s32 $0x8;
	s5 =	smul.u32 $0x500, s5;
	s6 =	sshrl.u32 s6, $0x3  }
0xe: {  	s7 =	ssub.s32 s23, s9;
	s26 =	sadd.s32 s24, s10;
	s24 =	simm.s32 $0x0  }
0xf: {  	s2 =	sadd.s32 s6, s2;
	s6 =	sadd.s32 s25, s1;
	s7 =	smax.u32 s7, $0x1  }
0x10: {  	s4 =	sadd.s32 s0, s5;
	s5 =	sadd.s32 $0x3400, s2;
	s8 =	sadd.s32 $0x80, s6  }
0x11: {  	s9 =	sadd.s32 $0x100, s6;
	s2 =	sshll.u32 s26, $0x7;
	s10 =	sadd.s32 $0x180, s6  }
0x12: {  	s11 =	sadd.s32 $0x200, s6;
	s0 =	sadd.s32 s0, s2;
	s12 =	sadd.s32 $0x80, s4  }
0x13: {  	v0 =	vimm.f32 $1.000000000e+00;
	v1 =	vimm.f32 $0.0e+00;
	s2 =	simm.s32 $0x5;
	s22 =	sadd.s32 $0x100, s0;
	s0 =	simm.s32 $0x4  }
.LBB2_1:
0x14: {  	[tilespmem:$0xA80] =	vst v0  }
0x15: {  	[tilespmem:$0xB00] =	vst v1  }
0x16: {  	[tilespmem:$0xA90] =	vst v0  }
0x17: {  	[tilespmem:$0xB10] =	vst v1  }
0x18: {  	[tilespmem:$0xAA0] =	vst v0  }
0x19: {  	[tilespmem:$0xB20] =	vst v1  }
0x1a: {  	[tilespmem:$0xAB0] =	vst v0  }
0x1b: {  	[tilespmem:$0xB30] =	vst v1  }
0x1c: {  	[tilespmem:$0xAC0] =	vst v0  }
0x1d: {  	[tilespmem:$0xB40] =	vst v1  }
0x1e: {  	[tilespmem:$0xAD0] =	vst v0  }
0x1f: {  	[tilespmem:$0xB50] =	vst v1  }
0x20: {  	[tilespmem:$0xAE0] =	vst v0  }
0x21: {  	[tilespmem:$0xB60] =	vst v1  }
0x22: {  	[tilespmem:$0xAF0] =	vst v0  }
0x23: {  	[tilespmem:$0xB70] =	vst v1  }
0x24: {  	[spmem:s6] =	stream.linear.scatter [tilespmem:s14], [sflag:$0xA], $0x80, $0x38;
	[tilespmem:$0xB80] =	vst v63  }
0x25: {  	_ =	swait.ge [sflag:s15], $0x80  }
0x26: {  	[sflag:s15] =	ssyncset.done $0x0  }
0x27: {  	[sflag:s15] =	ssyncadd.s32 $0xFFFFFF80  }
0x28: {  	[spmem:s8] =	stream.linear.scatter [tilespmem:s14], [sflag:$0xA], $0x80, $0x38;
	[tilespmem:$0xB80] =	vst v63  }
0x29: {  	_ =	swait.ge [sflag:s15], $0x80  }
0x2a: {  	[sflag:s15] =	ssyncset.done $0x0  }
0x2b: {  	[sflag:s15] =	ssyncadd.s32 $0xFFFFFF80  }
0x2c: {  	[spmem:s9] =	stream.linear.scatter [tilespmem:s14], [sflag:$0xA], $0x80, $0x38;
	[tilespmem:$0xB80] =	vst v63  }
0x2d: {  	_ =	swait.ge [sflag:s15], $0x80  }
0x2e: {  	[sflag:s15] =	ssyncset.done $0x0  }
0x2f: {  	[sflag:s15] =	ssyncadd.s32 $0xFFFFFF80  }
0x30: {  	[spmem:s10] =	stream.linear.scatter [tilespmem:s14], [sflag:$0xA], $0x80, $0x38;
	[tilespmem:$0xB80] =	vst v63  }
0x31: {  	_ =	swait.ge [sflag:s15], $0x80  }
0x32: {  	[sflag:s15] =	ssyncset.done $0x0  }
0x33: {  	[sflag:s15] =	ssyncadd.s32 $0xFFFFFF80  }
0x34: {  	[spmem:s11] =	stream.linear.scatter [tilespmem:s14], [sflag:$0xA], $0x80, $0x38;
	[tilespmem:$0xB80] =	vst v63  }
0x35: {  	_ =	swait.ge [sflag:s15], $0x80  }
0x36: {  	[sflag:s15] =	ssyncset.done $0x0  }
0x37: {  	[sflag:s15] =	ssyncadd.s32 $0xFFFFFF80  }
0x38: {  	s3 =	simm.s32 $0x0;
	[bflag:$0x0] =	sbarrier.arrive $0xFFFF  }
0x39: {  	[tilespmem:s16], [sflag:$0xA] =	stream.linear.gather [hbm4b:s4+s3], $0x400, $0x38;
	[tilespmem:$0xB80] =	vst v63  }
0x3a: {  	_ =	swait.ge [sflag:s15], $0x400  }
0x3b: {  	[sflag:s15] =	ssyncset.done $0x0  }
0x3c: {  	[sflag:s15] =	ssyncadd.s32 $0xFFFFFC00  }
0x3d: {  	[spmem:s1] =	stream.indirect.scatter.add.f32 [tilespmem:s18], [sflag:$0x1], $0x1, s16, s17, $0xb8;
	[tilespmem:$0xB80] =	vst v63  }
0x3e: {  	s13 =	simm.s32 $0x300  }
0x3f: {  	[spmem:s1] =	stream.indirect.scatter.add.f32 [tilespmem:s18], [sflag:$0x2], $0x1, s13, s17, $0xb8;
	[tilespmem:$0xB80] =	vst v63  }
0x40: {  	s26 =	simm.s32 $0x380  }
0x41: {  	[spmem:s1] =	stream.indirect.scatter.add.f32 [tilespmem:s18], [sflag:$0x3], $0x1, s26, s17, $0xb8;
	[tilespmem:$0xB80] =	vst v63  }
0x42: {  	s23 =	simm.s32 $0x400  }
0x43: {  	[spmem:s1] =	stream.indirect.scatter.add.f32 [tilespmem:s18], [sflag:$0x4], $0x1, s23, s17, $0xb8;
	[tilespmem:$0xB80] =	vst v63  }
0x44: {  	s25 =	simm.s32 $0x480  }
0x45: {  	[spmem:s1] =	stream.indirect.scatter.add.f32 [tilespmem:s18], [sflag:$0x5], $0x1, s25, s17, $0xb8;
	[tilespmem:$0xB80] =	vst v63  }
0x46: {  	s26 =	simm.s32 $0x500  }
0x47: {  	[spmem:s1] =	stream.indirect.scatter.add.f32 [tilespmem:s18], [sflag:$0x6], $0x1, s26, s17, $0xb8;
	[tilespmem:$0xB80] =	vst v63  }
0x48: {  	s23 =	simm.s32 $0x580  }
0x49: {  	[spmem:s1] =	stream.indirect.scatter.add.f32 [tilespmem:s18], [sflag:$0x7], $0x1, s23, s17, $0xb8;
	[tilespmem:$0xB80] =	vst v63  }
0x4a: {  	s25 =	simm.s32 $0x600  }
0x4b: {  	[spmem:s1] =	stream.indirect.scatter.add.f32 [tilespmem:s18], [sflag:$0x8], $0x1, s25, s17, $0xb8;
	[tilespmem:$0xB80] =	vst v63  }
0x4c: {  	s26 =	simm.s32 $0x680  }
0x4d: {  	[tilespmem:s26], [sflag:$0x9] =	stream.linear.gather [hbm4b:s12+s3], $0x400, $0x38;
	[tilespmem:$0xB80] =	vst v63  }
0x4e: {  	s13 =	smov.u32 s22;
	s25 =	simm.s32 $0x800;
	s26 =	simm.s32 $0x1000  }
.LBB2_2:
0x4f: {  	_ =	swait.ge [sflag:s28], $0x400  }
0x50: {  	[sflag:s28] =	ssyncset.done $0x0  }
0x51: {  	[sflag:s28] =	ssyncadd.s32 $0xFFFFFC00  }
0x52: {  	s23 =	sshrl.u32 s26, $0x2;
	_ =	swait.ge [sflag:s29], $0x80  }
0x53: {  	s23 =	sand.u32 $0x400, s23;
	[sflag:s29] =	ssyncset.done $0x0  }
0x54: {  	s3 =	sor.u32 $0x280, s23;
	[sflag:s29] =	ssyncadd.s32 $0xFFFFFF80  }
0x55: {  	[spmem:s1] =	stream.indirect.scatter.add.f32 [tilespmem:s18], [sflag:$0x1], $0x1, s3, s17, $0xb8;
	[tilespmem:$0xB80] =	vst v63  }
0x56: {  	_ =	swait.ge [sflag:s30], $0x80  }
0x57: {  	[sflag:s30] =	ssyncset.done $0x0  }
0x58: {  	s3 =	sor.u32 $0x300, s23;
	[sflag:s30] =	ssyncadd.s32 $0xFFFFFF80  }
0x59: {  	[spmem:s1] =	stream.indirect.scatter.add.f32 [tilespmem:s18], [sflag:$0x2], $0x1, s3, s17, $0xb8;
	[tilespmem:$0xB80] =	vst v63  }
0x5a: {  	_ =	swait.ge [sflag:s31], $0x80  }
0x5b: {  	[sflag:s31] =	ssyncset.done $0x0  }
0x5c: {  	s3 =	sor.u32 $0x380, s23;
	[sflag:s31] =	ssyncadd.s32 $0xFFFFFF80  }
0x5d: {  	[spmem:s1] =	stream.indirect.scatter.add.f32 [tilespmem:s18], [sflag:$0x3], $0x1, s3, s17, $0xb8;
	[tilespmem:$0xB80] =	vst v63  }
0x5e: {  	_ =	swait.ge [sflag:s0], $0x80  }
0x5f: {  	[sflag:s0] =	ssyncset.done $0x0  }
0x60: {  	s3 =	sadd.s32 $0x400, s23;
	[sflag:s0] =	ssyncadd.s32 $0xFFFFFF80  }
0x61: {  	[spmem:s1] =	stream.indirect.scatter.add.f32 [tilespmem:s18], [sflag:$0x4], $0x1, s3, s17, $0xb8;
	[tilespmem:$0xB80] =	vst v63  }
0x62: {  	_ =	swait.ge [sflag:s2], $0x80  }
0x63: {  	[sflag:s2] =	ssyncset.done $0x0  }
0x64: {  	s3 =	sadd.s32 $0x480, s23;
	[sflag:s2] =	ssyncadd.s32 $0xFFFFFF80  }
0x65: {  	[spmem:s1] =	stream.indirect.scatter.add.f32 [tilespmem:s18], [sflag:$0x5], $0x1, s3, s17, $0xb8;
	[tilespmem:$0xB80] =	vst v63  }
0x66: {  	_ =	swait.ge [sflag:s19], $0x80  }
0x67: {  	[sflag:s19] =	ssyncset.done $0x0  }
0x68: {  	s3 =	sadd.s32 $0x500, s23;
	[sflag:s19] =	ssyncadd.s32 $0xFFFFFF80  }
0x69: {  	[spmem:s1] =	stream.indirect.scatter.add.f32 [tilespmem:s18], [sflag:$0x6], $0x1, s3, s17, $0xb8;
	[tilespmem:$0xB80] =	vst v63  }
0x6a: {  	_ =	swait.ge [sflag:s20], $0x80  }
0x6b: {  	[sflag:s20] =	ssyncset.done $0x0  }
0x6c: {  	p0 =	seq.s32 s25, $0x2800;
	s3 =	sadd.s32 $0x580, s23;
	[sflag:s20] =	ssyncadd.s32 $0xFFFFFF80  }
0x6d: {  	[spmem:s1] =	stream.indirect.scatter.add.f32 [tilespmem:s18], [sflag:$0x7], $0x1, s3, s17, $0xb8;
	[tilespmem:$0xB80] =	vst v63  }
0x6e: {  	s3 =	sand.u32 @!p0 $0x400, s25;
	s25 =	sadd.s32 @!p0 $0x400, s25  }
0x6f: {  	_ =	swait.ge [sflag:s21], $0x80;
	p1 =	sne.s32 @!p0 s25, $0x2C00  }
0x70: {  	[sflag:s21] =	ssyncset.done $0x0;
	p1 =	por p0, !p1  }
.Ltmp0:
0x71: {  	s23 =	sadd.s32 $0x600, s23;
	[sflag:s21] =	ssyncadd.s32 $0xFFFFFF80;
	(pc) =	sbr.rel @!p1 .LBB2_2-.Ltmp0, $4  }
0x72: {  	[spmem:s1] =	stream.indirect.scatter.add.f32 [tilespmem:s18], [sflag:$0x8], $0x1, s23, s17, $0xb8;
	[tilespmem:$0xB80] =	vst v63  }
0x73: {  	s3 =	sor.u32 @!p0 $0x280, s3;
	s23 =	simm.s32 @!p0 $0x0  }
0x74: {  	[tilespmem:s3], [sflag:$0x9] =	stream.linear.gather @!p0 [hbm4b:s13+s23], $0x400, $0x38;
	[tilespmem:$0xB80] =	vst v63  }
0x75: {  	s26 =	sadd.s32 @!p0 $0x1000, s26;
	s13 =	sadd.s32 @!p0 $0x80, s13  }
0x76: {  	_ =	swait.ge [sflag:s29], $0x80  }
0x77: {  	[sflag:s29] =	ssyncset.done $0x0  }
0x78: {  	[sflag:s29] =	ssyncadd.s32 $0xFFFFFF80  }
0x79: {  	_ =	swait.ge [sflag:s30], $0x80  }
0x7a: {  	[sflag:s30] =	ssyncset.done $0x0  }
0x7b: {  	[sflag:s30] =	ssyncadd.s32 $0xFFFFFF80  }
0x7c: {  	_ =	swait.ge [sflag:s31], $0x80  }
0x7d: {  	[sflag:s31] =	ssyncset.done $0x0  }
0x7e: {  	[sflag:s31] =	ssyncadd.s32 $0xFFFFFF80  }
0x7f: {  	_ =	swait.ge [sflag:s0], $0x80  }
0x80: {  	[sflag:s0] =	ssyncset.done $0x0  }
0x81: {  	[sflag:s0] =	ssyncadd.s32 $0xFFFFFF80  }
0x82: {  	_ =	swait.ge [sflag:s2], $0x80  }
0x83: {  	[sflag:s2] =	ssyncset.done $0x0  }
0x84: {  	[sflag:s2] =	ssyncadd.s32 $0xFFFFFF80  }
0x85: {  	_ =	swait.ge [sflag:s19], $0x80  }
0x86: {  	[sflag:s19] =	ssyncset.done $0x0  }
0x87: {  	[sflag:s19] =	ssyncadd.s32 $0xFFFFFF80  }
0x88: {  	_ =	swait.ge [sflag:s20], $0x80  }
0x89: {  	[sflag:s20] =	ssyncset.done $0x0  }
0x8a: {  	s3 =	stileid.u32;
	[sflag:s20] =	ssyncadd.s32 $0xFFFFFF80  }
0x8b: {  	s13 =	sshrl.u32 s6, $0x3;
	s23 =	simm.s32 $0x20;
	_ =	swait.ge [sflag:s21], $0x80  }
0x8c: {  	s25 =	simm.s32 $0x10;
	s24 =	sadd.s32 $0x1, s24;
	[sflag:s21] =	ssyncset.done $0x0  }
0x8d: {  	s3 =	sshll.u32 s3, $0x6;
	p0 =	sne.s32 s24, s7;
	[sflag:s21] =	ssyncadd.s32 $0xFFFFFF80  }
.Ltmp1:
0x8e: {  	s3 =	sor.u32 $0x1C0A, s3;
	[bflag:$0x0] =	sbarrier.arrive $0xFFFF;
	(pc) =	sbr.rel @p0 .LBB2_1-.Ltmp1, $4  }
0x8f: {  	[hbm:s5@s23], [sflag:s3] =	dma.strided [spmem:s13@s25], $0x50, s29, $0x10   }
0x90: {  	_ =	swait.ge [sflag:s15], $0x50  }
0x91: {  	[sflag:s15] =	ssyncset.done $0x0  }
0x92: {  	[sflag:s15] =	ssyncadd.s32 $0xFFFFFFB0  }
0x93: {  	_ =	sfence.sel $0x180000  }
0x94: {  	[bflag:$0x0] =	sbarrier.arrive $0xFFFF  }
0x95: {  	_ =	strace $0x90000047  }
0x96: {  	s0 =	stileid.u32;
	[bflag:$0x2] =	sbarrier.arrive $0xFFFF  }
0x97: {  	p0 =	sne.s32 s0, $0x0;
	s0 =	rddreg [dreg:$0x3]  }
0x98: {  	s0 =	sadd.s32 @!p0 $0x100000, s0  }
0x99: {  	[sflag:s0] =	ssyncadd.tile.s32 @!p0 $0x1;
	_ =	shalt  }
.Lfunc_end2:
_tile_overlayer_lowered:
.L_overlay_start_2:
0x9a: {  	(tag) =	ssettag $0x2  }
0x9b: {  	s0 =	rddreg [dreg:$0x0];
	s2 =	stileid.u32  }
0x9c: {  	s1 =	rddreg [dreg:$0x1];
	p0 =	sne.s32 s2, $0x0  }
0x9d: {  	s3 =	rddreg [dreg:$0x2];
	[bflag:$0x3] =	sbarrier.arrive $0xFFFF;
	s2 =	simm.s32 @!p0 $0x1C0A  }
0x9e: {  	[timem:s3], [sflag:s2] =	dma.local @!p0 [hbm:s0], s1  }
0x9f: {  	s0 =	simm.s32 @!p0 $0xA  }
0xa0: {  	_ =	swait.ge @!p0 [sflag:s0], s1  }
0xa1: {  	s1 =	ssub.s32 @!p0 $0x0, s1;
	[sflag:s0] =	ssyncset.done @!p0 $0x0  }
0xa2: {  	[sflag:s0] =	ssyncadd.s32 @!p0 s1  }
0xa3: {  	[bflag:$0x3] =	sbarrier.arrive $0xFFFF  }
0xa4: {  	_ =	shalt  }

</sc_bundles>
